<compile_context>
chip_gen: v7x
topology: tpu7x:2x2x1
jax: 0.10.2.dev20260603
libtpu: 0.0.44.dev20260713+nightly
codegen_flags: <defaults>
</compile_context>

<pallas_src>
import functools
import math

import jax
import jax.numpy as jnp
from jax import lax
from jax.experimental import pallas as pl
from jax.experimental.pallas import tpu as pltpu
from jax.experimental.pallas import tpu_sc as plsc

S = 2048
D = 1024
H = 16
HD = 64
KN = 32
QT = 128
NQT = S // QT
RB = 256
SCALE = 1.0 / math.sqrt(HD)
NEG = -1e30



def _rank_body(c_col_ref, c_row_ref, rank_ref):
    i0 = pl.program_id(0) * RB
    cj = c_col_ref[...]
    ci = c_row_ref[...]
    jj = lax.broadcasted_iota(jnp.int32, (S, 1), 0)
    ii = i0 + lax.broadcasted_iota(jnp.int32, (1, RB), 1)
    less = (cj < ci) | ((cj == ci) & (jj < ii))
    rank_ref[...] = jnp.sum(less.astype(jnp.int32), axis=0, keepdims=True)


def _ranks(c_col, c_row):
    return pl.pallas_call(
        _rank_body,
        grid=(S // RB,),
        in_specs=[
            pl.BlockSpec((S, 1), lambda i: (0, 0)),
            pl.BlockSpec((1, RB), lambda i: (0, i)),
        ],
        out_specs=pl.BlockSpec((1, RB), lambda i: (0, i)),
        out_shape=jax.ShapeDtypeStruct((1, S), jnp.int32),
    )(c_col, c_row)


def _invert_body(rank_row_ref, c_row_ref, cs_ref, sidx_ref):
    r0 = pl.program_id(0) * RB
    ranks = rank_row_ref[...]
    c = c_row_ref[...]
    rr = r0 + lax.broadcasted_iota(jnp.int32, (RB, 1), 0)
    match = ranks == rr
    jj = lax.broadcasted_iota(jnp.int32, (1, S), 1)
    cs_ref[...] = jnp.sum(jnp.where(match, c, 0.0), axis=1, keepdims=True)
    sidx_ref[...] = jnp.sum(jnp.where(match, jj, 0), axis=1, keepdims=True)


def _invert(rank_row, c_row):
    return pl.pallas_call(
        _invert_body,
        grid=(S // RB,),
        in_specs=[
            pl.BlockSpec((1, S), lambda i: (0, 0)),
            pl.BlockSpec((1, S), lambda i: (0, 0)),
        ],
        out_specs=[
            pl.BlockSpec((RB, 1), lambda i: (i, 0)),
            pl.BlockSpec((RB, 1), lambda i: (i, 0)),
        ],
        out_shape=[
            jax.ShapeDtypeStruct((S, 1), jnp.float32),
            jax.ShapeDtypeStruct((S, 1), jnp.int32),
        ],
    )(rank_row, c_row)



def _attn_body(csp_ref, csm_ref, csn_ref, cc0_ref, cc1_ref, cc2_ref, cc3_ref,
               si0_ref, si1_ref, si2_ref, si3_ref,
               q_ref, k0_ref, k1_ref, k2_ref,
               k3_ref, v0_ref, v1_ref, v2_ref, v3_ref, wo_ref, bo_ref, o_ref):
    qt = pl.program_id(0)
    cs3 = jnp.concatenate(
        [csp_ref[0], csm_ref[0], csn_ref[0]], axis=1)
    cq = cs3[:, QT:2 * QT]
    r = qt * QT + lax.broadcasted_iota(jnp.int32, (1, QT), 1)
    theta = jnp.full((1, QT), jnp.inf, jnp.float32)
    for t in range(KN):
        lo = cs3[:, QT - t:2 * QT - t]
        hi = cs3[:, QT - t + KN - 1:2 * QT - t + KN - 1]
        cost = jnp.maximum(cq - lo, hi - cq)
        w = r - t
        valid = (w >= 0) & (w <= S - KN)
        theta = jnp.minimum(theta, jnp.where(valid, cost, jnp.inf))

    kb = jnp.concatenate(
        [k0_ref[...], k1_ref[...], k2_ref[...], k3_ref[...]], axis=0)
    vb = jnp.concatenate(
        [v0_ref[...], v1_ref[...], v2_ref[...], v3_ref[...]], axis=0)
    ccol = jnp.concatenate(
        [cc0_ref[...], cc1_ref[...], cc2_ref[...], cc3_ref[...]], axis=0)
    g = (2 * qt - 1) * 64 + lax.broadcasted_iota(jnp.int32, (2 * QT, 1), 0)
    gvalid = (g >= 0) & (g < S)
    sicol = jnp.concatenate(
        [si0_ref[...], si1_ref[...], si2_ref[...], si3_ref[...]], axis=0)
    d_mat = jnp.abs(ccol - cq)
    lt = (d_mat < theta) & gvalid
    tied = (d_mat == theta) & gvalid
    m = KN - jnp.sum(lt.astype(jnp.int32), axis=0, keepdims=True)
    mask = lt
    big = jnp.int32(1 << 30)
    for step in range(4):
        cand = jnp.where(tied, sicol, big)
        cur = jnp.min(cand, axis=0, keepdims=True)
        hit = tied & (sicol == cur)
        mask = mask | (hit & (step < m))
        tied = tied & ~hit
    q = q_ref[...] * SCALE
    outs = []
    for h in range(H):
        qh = q[:, h * HD:(h + 1) * HD]
        kh = kb[:, h * HD:(h + 1) * HD]
        vh = vb[:, h * HD:(h + 1) * HD]
        s = lax.dot_general(kh, qh, (((1,), (1,)), ((), ())),
                            preferred_element_type=jnp.float32)
        p = jnp.exp(jnp.where(mask, s, NEG))
        denom = jnp.sum(p, axis=0, keepdims=True)
        p = p * (1.0 / denom)
        outs.append(lax.dot_general(p, vh, (((0,), (0,)), ((), ())),
                                    preferred_element_type=jnp.float32))
    att = jnp.concatenate(outs, axis=1)
    o_ref[...] = (
        jnp.dot(att, wo_ref[...], preferred_element_type=jnp.float32,
                precision=lax.Precision.DEFAULT)
        + bo_ref[...])


def _attention(cs3d, cs_col, sidx_col, qkv, Wout, bout8):
    nb64 = S // 64
    def band(col):
        return [
            pl.BlockSpec((64, D), lambda i: (jnp.maximum(2 * i - 1, 0), col)),
            pl.BlockSpec((64, D), lambda i: (2 * i, col)),
            pl.BlockSpec((64, D), lambda i: (2 * i + 1, col)),
            pl.BlockSpec((64, D), lambda i: (jnp.minimum(2 * i + 2, nb64 - 1), col)),
        ]
    ccol_band = [
        pl.BlockSpec((64, 1), lambda i: (jnp.maximum(2 * i - 1, 0), 0)),
        pl.BlockSpec((64, 1), lambda i: (2 * i, 0)),
        pl.BlockSpec((64, 1), lambda i: (2 * i + 1, 0)),
        pl.BlockSpec((64, 1), lambda i: (jnp.minimum(2 * i + 2, nb64 - 1), 0)),
    ]
    return pl.pallas_call(
        _attn_body,
        grid=(NQT,),
        in_specs=[
            pl.BlockSpec((1, 1, QT), lambda i: (jnp.maximum(i - 1, 0), 0, 0)),
            pl.BlockSpec((1, 1, QT), lambda i: (i, 0, 0)),
            pl.BlockSpec((1, 1, QT), lambda i: (jnp.minimum(i + 1, NQT - 1), 0, 0)),
            *ccol_band,
            pl.BlockSpec((64, 1), lambda i: (jnp.maximum(2 * i - 1, 0), 0)),
            pl.BlockSpec((64, 1), lambda i: (2 * i, 0)),
            pl.BlockSpec((64, 1), lambda i: (2 * i + 1, 0)),
            pl.BlockSpec((64, 1), lambda i: (jnp.minimum(2 * i + 2, nb64 - 1), 0)),
            pl.BlockSpec((QT, D), lambda i: (i, 0)),
            *band(1),
            *band(2),
            pl.BlockSpec((D, D), lambda i: (0, 0)),
            pl.BlockSpec((1, D), lambda i: (0, 0)),
        ],
        out_specs=pl.BlockSpec((QT, D), lambda i: (i, 0)),
        out_shape=jax.ShapeDtypeStruct((S, D), jnp.float32),
    )(cs3d, cs3d, cs3d, cs_col, cs_col, cs_col, cs_col,
      sidx_col, sidx_col, sidx_col, sidx_col, qkv, qkv, qkv, qkv,
      qkv, qkv, qkv, qkv, qkv, Wout, bout8)



def _mm_body(x_ref, w_ref, b_ref, o_ref):
    o_ref[...] = (
        jnp.dot(x_ref[...], w_ref[...], preferred_element_type=jnp.float32,
                precision=lax.Precision.DEFAULT)
        + b_ref[...])


def _matmul_bias(x, w, b8, bn=256):
    m, k = x.shape
    n = w.shape[1]
    return pl.pallas_call(
        _mm_body,
        grid=(n // bn,),
        in_specs=[
            pl.BlockSpec((m, k), lambda j: (0, 0)),
            pl.BlockSpec((k, bn), lambda j: (0, j)),
            pl.BlockSpec((1, bn), lambda j: (0, j)),
        ],
        out_specs=pl.BlockSpec((m, bn), lambda j: (0, j)),
        out_shape=jax.ShapeDtypeStruct((m, n), jnp.float32),
    )(x, w, b8)



def _sc_gather(table, idx):
    ncol = table.shape[1]
    nw = 32
    bpw = S // nw
    mesh = plsc.VectorSubcoreMesh(core_axis_name="c", subcore_axis_name="s")

    @functools.partial(
        pl.kernel, mesh=mesh,
        out_type=jax.ShapeDtypeStruct((S, ncol), jnp.float32),
        scratch_types=[
            pltpu.VMEM((bpw,), jnp.int32),
            pltpu.VMEM((bpw, ncol), jnp.float32),
            pltpu.SemaphoreType.DMA,
        ],
    )
    def gk(table_hbm, idx_hbm, out_hbm, idx_v, rows_v, sem):
        wid = lax.axis_index("s") * 2 + lax.axis_index("c")
        base = wid * bpw
        pltpu.sync_copy(idx_hbm.at[pl.ds(base, bpw)], idx_v)
        pltpu.async_copy(table_hbm.at[idx_v], rows_v, sem).wait()
        pltpu.sync_copy(rows_v, out_hbm.at[pl.ds(base, bpw)])

    return gk(table, idx)


def _sc_scatter(table, idx):
    ncol = table.shape[1]
    nw = 32
    bpw = S // nw
    mesh = plsc.VectorSubcoreMesh(core_axis_name="c", subcore_axis_name="s")

    @functools.partial(
        pl.kernel, mesh=mesh,
        out_type=jax.ShapeDtypeStruct((S, ncol), jnp.float32),
        scratch_types=[
            pltpu.VMEM((bpw,), jnp.int32),
            pltpu.VMEM((bpw, ncol), jnp.float32),
            pltpu.SemaphoreType.DMA,
        ],
    )
    def sk(table_hbm, idx_hbm, out_hbm, idx_v, rows_v, sem):
        wid = lax.axis_index("s") * 2 + lax.axis_index("c")
        base = wid * bpw
        pltpu.sync_copy(idx_hbm.at[pl.ds(base, bpw)], idx_v)
        pltpu.sync_copy(table_hbm.at[pl.ds(base, bpw)], rows_v)
        pltpu.async_copy(rows_v, out_hbm.at[idx_v], sem).wait()

    return sk(table, idx)



def kernel(x, cantor_coords, Wqkv, bqkv, Wout, bout):
    x2 = x.reshape(S, D)
    c_col = cantor_coords.reshape(S, 1)
    c_row = cantor_coords.reshape(1, S)

    rank_row = _ranks(c_col, c_row)
    rank_flat = rank_row.reshape(S)
    cs_col, sidx_col = _invert(rank_row, c_row)

    x_s = _sc_scatter(x2, rank_flat)
    qkv = _matmul_bias(x_s, Wqkv, bqkv.reshape(1, 3 * D))
    y_s = _attention(cs_col.reshape(NQT, 1, QT), cs_col, sidx_col, qkv,
                     Wout, bout.reshape(1, D))
    y = _sc_gather(y_s, rank_flat)
    return y.reshape(1, S, D)

# --- scband reference (transcript-rebuilt; emitter-appended) ---
"""Pipeline reference for scband-pentachoron-cantor-companion-46523085750375 (READ-ONLY COPY).

The authoritative reference and input builder live on the scoring server;
editing this copy changes nothing except your own understanding.
"""

import jax, jax.numpy as jnp
import numpy as np
import math

DIM = 1024
NUM_HEADS = 16
HEAD_DIM = 64
WINDOW_K = 32
BATCH = 1
SEQ = 2048


def setup_inputs(seed: int = 0) -> dict:
    key = jax.random.key(seed)
    k1, k2, k3, k4, k5, k6 = jax.random.split(key, 6)
    x = jax.random.normal(k1, (BATCH, SEQ, DIM), dtype=jnp.float32)
    cantor_coords = jax.random.uniform(k2, (SEQ,), dtype=jnp.float32)
    # Learned parameters (nn.Linear uses y = x @ W.T + b; we store W already transposed)
    s_qkv = 1.0 / math.sqrt(DIM)
    Wqkv = jax.random.uniform(k3, (DIM, 3 * DIM), dtype=jnp.float32, minval=-s_qkv, maxval=s_qkv)
    bqkv = jax.random.uniform(k4, (3 * DIM,), dtype=jnp.float32, minval=-s_qkv, maxval=s_qkv)
    Wout = jax.random.uniform(k5, (DIM, DIM), dtype=jnp.float32, minval=-s_qkv, maxval=s_qkv)
    bout = jax.random.uniform(k6, (DIM,), dtype=jnp.float32, minval=-s_qkv, maxval=s_qkv)
    return {"x": x, "cantor_coords": cantor_coords, "Wqkv": Wqkv, "bqkv": bqkv, "Wout": Wout, "bout": bout}


def reference(x, cantor_coords, Wqkv, bqkv, Wout, bout):
    B, S, D = x.shape
    H, hd, kn = NUM_HEADS, HEAD_DIM, WINDOW_K
    scale = 1.0 / math.sqrt(hd)
    # QKV projection
    qkv = x @ Wqkv + bqkv                       # [B, S, 3D]
    qkv = qkv.reshape(B, S, 3, H, hd)
    qkv = jnp.transpose(qkv, (2, 0, 3, 1, 4))   # [3, B, H, S, hd]
    q, k, v = qkv[0], qkv[1], qkv[2]
    # Build routes from Cantor coordinates: k nearest by |coord_i - coord_j|
    distances = jnp.abs(cantor_coords[:, None] - cantor_coords[None, :])  # [S, S]
    _, routes = jax.lax.top_k(-distances, kn)   # smallest distances -> [S, kn]
    # Sparse attention: gather neighbor keys/values
    k_gathered = k[:, :, routes, :]             # [B, H, S, kn, hd]
    v_gathered = v[:, :, routes, :]             # [B, H, S, kn, hd]
    scores = jnp.einsum('bhqd,bhqkd->bhqk', q, k_gathered) * scale
    attn = jax.nn.softmax(scores, axis=-1)      # dropout = identity in eval
    out = jnp.einsum('bhqk,bhqkd->bhqd', attn, v_gathered)  # [B, H, S, hd]
    out = jnp.transpose(out, (0, 2, 1, 3)).reshape(B, S, D)
    out = out @ Wout + bout
    return out

if __name__ == "__main__":
    import jax
    _d = setup_inputs()
    print(jax.jit(kernel)(*tuple(_d.values())))

</pallas_src>

<mosaic_0001>
#map = affine_map<(d0, d1) -> (0, 0)>
#map1 = affine_map<(d0, d1) -> (0)>
module attributes {stable_mosaic.version = 14 : i64} {
  func.func @sk(%arg0: i32, %arg1: i32, %arg2: memref<2048x1024xf32, #tpu.memory_space<hbm>>, %arg3: memref<2048xi32, #tpu.memory_space<hbm>>, %arg4: memref<2048x1024xf32, #tpu.memory_space<hbm>>, %arg5: memref<64xi32, #tpu.memory_space<vmem>>, %arg6: memref<64x1024xf32, #tpu.memory_space<vmem>>, %arg7: memref<!tpu.dma_semaphore, #tpu.memory_space<semaphore_mem>>) attributes {dimension_semantics = [#tpu.dimension_semantics<core_parallel>, #tpu.dimension_semantics<subcore_parallel>], iteration_bounds = array<i64: 2, 16>, scalar_prefetch = 0 : i64, scratch_operands = 3 : i64, tpu.core_type = #tpu.core_type<sc_vector_subcore>, window_params = [{transform_indices = #map}, {transform_indices = #map1}, {transform_indices = #map}]} {
    %mul3A = arith.constant 2 : i32
    %mul3A_0 = arith.muli %arg1, %mul3A : i32
    %add3A = arith.addi %mul3A_0, %arg0 : i32
    %mul3A_1 = arith.constant 64 : i32
    %mul3A_2 = arith.muli %add3A, %mul3A_1 : i32
    "tpu.region"() ({
      %run_scoped3A = tpu.sem_alloc : memref<!tpu.dma_semaphore, #tpu.memory_space<semaphore_mem>>
      %dma_start3A_7 = tpu.memref_slice %arg3[%mul3A_2] : memref<2048xi32, #tpu.memory_space<hbm>> -> memref<64xi32, #tpu.memory_space<hbm>>
      %dma_start3A_8 = tpu.memref_slice %arg3[%mul3A_2] : memref<2048xi32, #tpu.memory_space<hbm>> -> memref<64xi32, #tpu.memory_space<hbm>>
      tpu.enqueue_dma source(%dma_start3A_8 : memref<64xi32, #tpu.memory_space<hbm>>) target(%arg5 : memref<64xi32, #tpu.memory_space<vmem>>) target_semaphore(%run_scoped3A : memref<!tpu.dma_semaphore, #tpu.memory_space<semaphore_mem>>)
      %dma_wait3A_9 = tpu.memref_slice %arg3[%mul3A_2] : memref<2048xi32, #tpu.memory_space<hbm>> -> memref<64xi32, #tpu.memory_space<hbm>>
      %dma_wait3A_10 = tpu.memref_slice %arg3[%mul3A_2] : memref<2048xi32, #tpu.memory_space<hbm>> -> memref<64xi32, #tpu.memory_space<hbm>>
      tpu.wait_dma2 semaphore(%run_scoped3A : memref<!tpu.dma_semaphore, #tpu.memory_space<semaphore_mem>>) src(%dma_wait3A_10 : memref<64xi32, #tpu.memory_space<hbm>>) dst(%arg5 : memref<64xi32, #tpu.memory_space<vmem>>)
      tpu.yield
    }) : () -> ()
    "tpu.region"() ({
      %run_scoped3A = tpu.sem_alloc : memref<!tpu.dma_semaphore, #tpu.memory_space<semaphore_mem>>
      %dma_start3A_7 = arith.constant 0 : i32
      %dma_start3A_8 = tpu.memref_slice %arg2[%mul3A_2, %dma_start3A_7] : memref<2048x1024xf32, #tpu.memory_space<hbm>> -> memref<64x1024xf32, #tpu.memory_space<hbm>>
      %dma_start3A_9 = arith.constant 0 : i32
      %dma_start3A_10 = tpu.memref_slice %arg2[%mul3A_2, %dma_start3A_9] : memref<2048x1024xf32, #tpu.memory_space<hbm>> -> memref<64x1024xf32, #tpu.memory_space<hbm>>
      tpu.enqueue_dma source(%dma_start3A_10 : memref<64x1024xf32, #tpu.memory_space<hbm>>) target(%arg6 : memref<64x1024xf32, #tpu.memory_space<vmem>>) target_semaphore(%run_scoped3A : memref<!tpu.dma_semaphore, #tpu.memory_space<semaphore_mem>>)
      %dma_wait3A_11 = arith.constant 0 : i32
      %dma_wait3A_12 = tpu.memref_slice %arg2[%mul3A_2, %dma_wait3A_11] : memref<2048x1024xf32, #tpu.memory_space<hbm>> -> memref<64x1024xf32, #tpu.memory_space<hbm>>
      %dma_wait3A_13 = arith.constant 0 : i32
      %dma_wait3A_14 = tpu.memref_slice %arg2[%mul3A_2, %dma_wait3A_13] : memref<2048x1024xf32, #tpu.memory_space<hbm>> -> memref<64x1024xf32, #tpu.memory_space<hbm>>
      tpu.wait_dma2 semaphore(%run_scoped3A : memref<!tpu.dma_semaphore, #tpu.memory_space<semaphore_mem>>) src(%dma_wait3A_14 : memref<64x1024xf32, #tpu.memory_space<hbm>>) dst(%arg6 : memref<64x1024xf32, #tpu.memory_space<vmem>>)
      tpu.yield
    }) : () -> ()
    %dma_start3A = arith.constant 0 : i32
    %dma_start3A_3 = arith.constant 0 : i32
    %dma_start3A_4 = tpu.memref_slice %arg4[%dma_start3A, %dma_start3A_3] : memref<2048x1024xf32, #tpu.memory_space<hbm>> -> memref<2048x1024xf32, #tpu.memory_space<hbm>>
    tpu.enqueue_indirect_dma source(%arg6 : memref<64x1024xf32, #tpu.memory_space<vmem>>) target(%dma_start3A_4 : memref<2048x1024xf32, #tpu.memory_space<hbm>>) offsets(%arg5 : memref<64xi32, #tpu.memory_space<vmem>>) semaphore(%arg7 : memref<!tpu.dma_semaphore, #tpu.memory_space<semaphore_mem>>)
    %dma_wait3A = arith.constant 0 : i32
    %dma_wait3A_5 = arith.constant 0 : i32
    %dma_wait3A_6 = tpu.memref_slice %arg4[%dma_wait3A, %dma_wait3A_5] : memref<2048x1024xf32, #tpu.memory_space<hbm>> -> memref<2048x1024xf32, #tpu.memory_space<hbm>>
    tpu.wait_indirect_dma semaphore(%arg7 : memref<!tpu.dma_semaphore, #tpu.memory_space<semaphore_mem>>) src(%arg6 : memref<64x1024xf32, #tpu.memory_space<vmem>>) dst(%dma_wait3A_6 : memref<2048x1024xf32, #tpu.memory_space<hbm>>)
    return
  }
}

#map = affine_map<(d0, d1) -> (0, 0)>
#map1 = affine_map<(d0, d1) -> (0)>
module attributes {stable_mosaic.version = 14 : i64} {
  func.func @gk(%arg0: i32, %arg1: i32, %arg2: memref<2048x1024xf32, #tpu.memory_space<hbm>>, %arg3: memref<2048xi32, #tpu.memory_space<hbm>>, %arg4: memref<2048x1024xf32, #tpu.memory_space<hbm>>, %arg5: memref<64xi32, #tpu.memory_space<vmem>>, %arg6: memref<64x1024xf32, #tpu.memory_space<vmem>>, %arg7: memref<!tpu.dma_semaphore, #tpu.memory_space<semaphore_mem>>) attributes {dimension_semantics = [#tpu.dimension_semantics<core_parallel>, #tpu.dimension_semantics<subcore_parallel>], iteration_bounds = array<i64: 2, 16>, scalar_prefetch = 0 : i64, scratch_operands = 3 : i64, tpu.core_type = #tpu.core_type<sc_vector_subcore>, window_params = [{transform_indices = #map}, {transform_indices = #map1}, {transform_indices = #map}]} {
    %mul3A = arith.constant 2 : i32
    %mul3A_0 = arith.muli %arg1, %mul3A : i32
    %add3A = arith.addi %mul3A_0, %arg0 : i32
    %mul3A_1 = arith.constant 64 : i32
    %mul3A_2 = arith.muli %add3A, %mul3A_1 : i32
    "tpu.region"() ({
      %run_scoped3A = tpu.sem_alloc : memref<!tpu.dma_semaphore, #tpu.memory_space<semaphore_mem>>
      %dma_start3A_7 = tpu.memref_slice %arg3[%mul3A_2] : memref<2048xi32, #tpu.memory_space<hbm>> -> memref<64xi32, #tpu.memory_space<hbm>>
      %dma_start3A_8 = tpu.memref_slice %arg3[%mul3A_2] : memref<2048xi32, #tpu.memory_space<hbm>> -> memref<64xi32, #tpu.memory_space<hbm>>
      tpu.enqueue_dma source(%dma_start3A_8 : memref<64xi32, #tpu.memory_space<hbm>>) target(%arg5 : memref<64xi32, #tpu.memory_space<vmem>>) target_semaphore(%run_scoped3A : memref<!tpu.dma_semaphore, #tpu.memory_space<semaphore_mem>>)
      %dma_wait3A_9 = tpu.memref_slice %arg3[%mul3A_2] : memref<2048xi32, #tpu.memory_space<hbm>> -> memref<64xi32, #tpu.memory_space<hbm>>
      %dma_wait3A_10 = tpu.memref_slice %arg3[%mul3A_2] : memref<2048xi32, #tpu.memory_space<hbm>> -> memref<64xi32, #tpu.memory_space<hbm>>
      tpu.wait_dma2 semaphore(%run_scoped3A : memref<!tpu.dma_semaphore, #tpu.memory_space<semaphore_mem>>) src(%dma_wait3A_10 : memref<64xi32, #tpu.memory_space<hbm>>) dst(%arg5 : memref<64xi32, #tpu.memory_space<vmem>>)
      tpu.yield
    }) : () -> ()
    %dma_start3A = arith.constant 0 : i32
    %dma_start3A_3 = arith.constant 0 : i32
    %dma_start3A_4 = tpu.memref_slice %arg2[%dma_start3A, %dma_start3A_3] : memref<2048x1024xf32, #tpu.memory_space<hbm>> -> memref<2048x1024xf32, #tpu.memory_space<hbm>>
    tpu.enqueue_indirect_dma source(%dma_start3A_4 : memref<2048x1024xf32, #tpu.memory_space<hbm>>) target(%arg6 : memref<64x1024xf32, #tpu.memory_space<vmem>>) offsets(%arg5 : memref<64xi32, #tpu.memory_space<vmem>>) semaphore(%arg7 : memref<!tpu.dma_semaphore, #tpu.memory_space<semaphore_mem>>)
    %dma_wait3A = arith.constant 0 : i32
    %dma_wait3A_5 = arith.constant 0 : i32
    %dma_wait3A_6 = tpu.memref_slice %arg2[%dma_wait3A, %dma_wait3A_5] : memref<2048x1024xf32, #tpu.memory_space<hbm>> -> memref<2048x1024xf32, #tpu.memory_space<hbm>>
    tpu.wait_indirect_dma semaphore(%arg7 : memref<!tpu.dma_semaphore, #tpu.memory_space<semaphore_mem>>) src(%dma_wait3A_6 : memref<2048x1024xf32, #tpu.memory_space<hbm>>) dst(%arg6 : memref<64x1024xf32, #tpu.memory_space<vmem>>)
    "tpu.region"() ({
      %run_scoped3A = tpu.sem_alloc : memref<!tpu.dma_semaphore, #tpu.memory_space<semaphore_mem>>
      %dma_start3A_7 = arith.constant 0 : i32
      %dma_start3A_8 = tpu.memref_slice %arg4[%mul3A_2, %dma_start3A_7] : memref<2048x1024xf32, #tpu.memory_space<hbm>> -> memref<64x1024xf32, #tpu.memory_space<hbm>>
      %dma_start3A_9 = arith.constant 0 : i32
      %dma_start3A_10 = tpu.memref_slice %arg4[%mul3A_2, %dma_start3A_9] : memref<2048x1024xf32, #tpu.memory_space<hbm>> -> memref<64x1024xf32, #tpu.memory_space<hbm>>
      tpu.enqueue_dma source(%arg6 : memref<64x1024xf32, #tpu.memory_space<vmem>>) target(%dma_start3A_10 : memref<64x1024xf32, #tpu.memory_space<hbm>>) target_semaphore(%run_scoped3A : memref<!tpu.dma_semaphore, #tpu.memory_space<semaphore_mem>>)
      %dma_wait3A_11 = arith.constant 0 : i32
      %dma_wait3A_12 = tpu.memref_slice %arg4[%mul3A_2, %dma_wait3A_11] : memref<2048x1024xf32, #tpu.memory_space<hbm>> -> memref<64x1024xf32, #tpu.memory_space<hbm>>
      %dma_wait3A_13 = arith.constant 0 : i32
      %dma_wait3A_14 = tpu.memref_slice %arg4[%mul3A_2, %dma_wait3A_13] : memref<2048x1024xf32, #tpu.memory_space<hbm>> -> memref<64x1024xf32, #tpu.memory_space<hbm>>
      tpu.wait_dma2 semaphore(%run_scoped3A : memref<!tpu.dma_semaphore, #tpu.memory_space<semaphore_mem>>) src(%arg6 : memref<64x1024xf32, #tpu.memory_space<vmem>>) dst(%dma_wait3A_14 : memref<64x1024xf32, #tpu.memory_space<hbm>>)
      tpu.yield
    }) : () -> ()
    return
  }
}

module attributes {stable_mosaic.version = 14 : i64} {
  func.func @_invert_body(%arg0: i32, %arg1: memref<1x2048xi32, #tpu.memory_space<vmem>>, %arg2: memref<1x2048xf32, #tpu.memory_space<vmem>>, %arg3: memref<256x1xf32, #tpu.memory_space<vmem>>, %arg4: memref<256x1xi32, #tpu.memory_space<vmem>>) attributes {dimension_semantics = [#tpu.dimension_semantics<arbitrary>], iteration_bounds = array<i64: 8>, scalar_prefetch = 0 : i64, scratch_operands = 0 : i64, tpu.core_type = #tpu.core_type<tc>, window_params = [{pipeline_mode = #tpu.pipeline_mode<synchronous>, transform_indices = @transform_0, window_bounds = array<i64: 1, 2048>}, {pipeline_mode = #tpu.pipeline_mode<synchronous>, transform_indices = @transform_1, window_bounds = array<i64: 1, 2048>}, {transform_indices = @transform_2, window_bounds = array<i64: 256, 1>}, {transform_indices = @transform_3, window_bounds = array<i64: 256, 1>}]} {
    %mul3A = arith.constant 256 : i32
    %mul3A_0 = arith.muli %arg0, %mul3A : i32
    %get3A = arith.constant 0 : index
    %get3A_1 = arith.constant 0 : index
    %get3A_2 = vector.load %arg1[%get3A, %get3A_1] : memref<1x2048xi32, #tpu.memory_space<vmem>>, vector<1x2048xi32>
    %get3A_3 = arith.constant 0 : index
    %get3A_4 = arith.constant 0 : index
    %get3A_5 = vector.load %arg2[%get3A_3, %get3A_4] : memref<1x2048xf32, #tpu.memory_space<vmem>>, vector<1x2048xf32>
    %iota3A = tpu.iota {dimensions = array<i32: 0>} : vector<256x1xi32>
    %add3A = vector.broadcast %mul3A_0 : i32 to vector<256x1xi32>
    %add3A_6 = arith.addi %add3A, %iota3A : vector<256x1xi32>
    %eq3A = vector.broadcast %get3A_2 : vector<1x2048xi32> to vector<256x2048xi32>
    %eq3A_7 = vector.broadcast %add3A_6 : vector<256x1xi32> to vector<256x2048xi32>
    %eq3A_8 = arith.cmpi eq, %eq3A, %eq3A_7 : vector<256x2048xi32>
    %iota3A_9 = tpu.iota {dimensions = array<i32: 1>} : vector<1x2048xi32>
    %jit3A = arith.constant 0.000000e+00 : f32
    %broadcast_in_dim3A = vector.shape_cast %get3A_5 : vector<1x2048xf32> to vector<1x2048xf32>
    %broadcast_in_dim3A_10 = vector.broadcast %broadcast_in_dim3A : vector<1x2048xf32> to vector<256x2048xf32>
    %broadcast_in_dim3A_11 = vector.broadcast %jit3A : f32 to vector<256x2048xf32>
    %select_n3A = arith.select %eq3A_8, %broadcast_in_dim3A_10, %broadcast_in_dim3A_11 : vector<256x2048xi1>, vector<256x2048xf32>
    %reduce_sum3A = arith.constant dense<0.000000e+00> : vector<256xf32>
    %reduce_sum3A_12 = vector.multi_reduction <add>, %select_n3A, %reduce_sum3A [1] : vector<256x2048xf32> to vector<256xf32>
    %broadcast_in_dim3A_13 = vector.shape_cast %reduce_sum3A_12 : vector<256xf32> to vector<256x1xf32>
    %swap3A = arith.constant 0 : index
    %swap3A_14 = arith.constant 0 : index
    %swap3A_15 = vector.load %arg3[%swap3A, %swap3A_14] : memref<256x1xf32, #tpu.memory_space<vmem>>, vector<256x1xf32>
    tpu.vector_store %arg3[%swap3A, %swap3A_14], %broadcast_in_dim3A_13 {strides = array<i32>} : memref<256x1xf32, #tpu.memory_space<vmem>>, vector<256x1xf32>,
    %jit3A_16 = arith.constant 0 : i32
    %broadcast_in_dim3A_17 = vector.shape_cast %iota3A_9 : vector<1x2048xi32> to vector<1x2048xi32>
    %broadcast_in_dim3A_18 = vector.broadcast %broadcast_in_dim3A_17 : vector<1x2048xi32> to vector<256x2048xi32>
    %broadcast_in_dim3A_19 = vector.broadcast %jit3A_16 : i32 to vector<256x2048xi32>
    %select_n3A_20 = arith.select %eq3A_8, %broadcast_in_dim3A_18, %broadcast_in_dim3A_19 : vector<256x2048xi1>, vector<256x2048xi32>
    %reduce_sum3A_21 = arith.constant dense<0> : vector<256xi32>
    %reduce_sum3A_22 = vector.multi_reduction <add>, %select_n3A_20, %reduce_sum3A_21 [1] : vector<256x2048xi32> to vector<256xi32>
    %broadcast_in_dim3A_23 = vector.shape_cast %reduce_sum3A_22 : vector<256xi32> to vector<256x1xi32>
    %swap3A_24 = arith.constant 0 : index
    %swap3A_25 = arith.constant 0 : index
    %swap3A_26 = vector.load %arg4[%swap3A_24, %swap3A_25] : memref<256x1xi32, #tpu.memory_space<vmem>>, vector<256x1xi32>
    tpu.vector_store %arg4[%swap3A_24, %swap3A_25], %broadcast_in_dim3A_23 {strides = array<i32>} : memref<256x1xi32, #tpu.memory_space<vmem>>, vector<256x1xi32>,
    return
  }
  func.func @transform_0(%arg0: i32) -> (i32, i32) {
    %c0_i32 = arith.constant 0 : i32
    %c0_i32_0 = arith.constant 0 : i32
    %c0_i32_1 = arith.constant 0 : i32
    return %c0_i32, %c0_i32_0 : i32, i32
  }
  func.func @transform_1(%arg0: i32) -> (i32, i32) {
    %c0_i32 = arith.constant 0 : i32
    %c0_i32_0 = arith.constant 0 : i32
    %c0_i32_1 = arith.constant 0 : i32
    return %c0_i32, %c0_i32_0 : i32, i32
  }
  func.func @transform_2(%arg0: i32) -> (i32, i32) {
    %c0_i32 = arith.constant 0 : i32
    %c0_i32_0 = arith.constant 0 : i32
    return %arg0, %c0_i32 : i32, i32
  }
  func.func @transform_3(%arg0: i32) -> (i32, i32) {
    %c0_i32 = arith.constant 0 : i32
    %c0_i32_0 = arith.constant 0 : i32
    return %arg0, %c0_i32 : i32, i32
  }
}

module attributes {stable_mosaic.version = 14 : i64} {
  func.func @_rank_body(%arg0: i32, %arg1: memref<2048x1xf32, #tpu.memory_space<vmem>>, %arg2: memref<1x256xf32, #tpu.memory_space<vmem>>, %arg3: memref<1x256xi32, #tpu.memory_space<vmem>>) attributes {dimension_semantics = [#tpu.dimension_semantics<arbitrary>], iteration_bounds = array<i64: 8>, scalar_prefetch = 0 : i64, scratch_operands = 0 : i64, tpu.core_type = #tpu.core_type<tc>, window_params = [{pipeline_mode = #tpu.pipeline_mode<synchronous>, transform_indices = @transform_0, window_bounds = array<i64: 2048, 1>}, {transform_indices = @transform_1, window_bounds = array<i64: 1, 256>}, {transform_indices = @transform_2, window_bounds = array<i64: 1, 256>}]} {
    %mul3A = arith.constant 256 : i32
    %mul3A_0 = arith.muli %arg0, %mul3A : i32
    %get3A = arith.constant 0 : index
    %get3A_1 = arith.constant 0 : index
    %get3A_2 = vector.load %arg1[%get3A, %get3A_1] : memref<2048x1xf32, #tpu.memory_space<vmem>>, vector<2048x1xf32>
    %get3A_3 = arith.constant 0 : index
    %get3A_4 = arith.constant 0 : index
    %get3A_5 = vector.load %arg2[%get3A_3, %get3A_4] : memref<1x256xf32, #tpu.memory_space<vmem>>, vector<1x256xf32>
    %iota3A = tpu.iota {dimensions = array<i32: 0>} : vector<2048x1xi32>
    %iota3A_6 = tpu.iota {dimensions = array<i32: 1>} : vector<1x256xi32>
    %add3A = vector.broadcast %mul3A_0 : i32 to vector<1x256xi32>
    %add3A_7 = arith.addi %add3A, %iota3A_6 : vector<1x256xi32>
    %lt3A = vector.broadcast %get3A_2 : vector<2048x1xf32> to vector<2048x256xf32>
    %lt3A_8 = vector.broadcast %get3A_5 : vector<1x256xf32> to vector<2048x256xf32>
    %lt3A_9 = arith.cmpf olt, %lt3A, %lt3A_8 : vector<2048x256xf32>
    %eq3A = vector.broadcast %get3A_2 : vector<2048x1xf32> to vector<2048x256xf32>
    %eq3A_10 = vector.broadcast %get3A_5 : vector<1x256xf32> to vector<2048x256xf32>
    %eq3A_11 = arith.cmpf oeq, %eq3A, %eq3A_10 : vector<2048x256xf32>
    %lt3A_12 = vector.broadcast %iota3A : vector<2048x1xi32> to vector<2048x256xi32>
    %lt3A_13 = vector.broadcast %add3A_7 : vector<1x256xi32> to vector<2048x256xi32>
    %lt3A_14 = arith.cmpi slt, %lt3A_12, %lt3A_13 : vector<2048x256xi32>
    %and3A = arith.andi %eq3A_11, %lt3A_14 : vector<2048x256xi1>
    %or3A = arith.ori %lt3A_9, %and3A : vector<2048x256xi1>
    %convert_element_type3A = arith.extui %or3A : vector<2048x256xi1> to vector<2048x256xi32>
    %reduce_sum3A = arith.constant dense<0> : vector<256xi32>
    %reduce_sum3A_15 = vector.multi_reduction <add>, %convert_element_type3A, %reduce_sum3A [0] : vector<2048x256xi32> to vector<256xi32>
    %broadcast_in_dim3A = vector.shape_cast %reduce_sum3A_15 : vector<256xi32> to vector<1x256xi32>
    %swap3A = arith.constant 0 : index
    %swap3A_16 = arith.constant 0 : index
    %swap3A_17 = vector.load %arg3[%swap3A, %swap3A_16] : memref<1x256xi32, #tpu.memory_space<vmem>>, vector<1x256xi32>
    tpu.vector_store %arg3[%swap3A, %swap3A_16], %broadcast_in_dim3A {strides = array<i32>} : memref<1x256xi32, #tpu.memory_space<vmem>>, vector<1x256xi32>,
    return
  }
  func.func @transform_0(%arg0: i32) -> (i32, i32) {
    %c0_i32 = arith.constant 0 : i32
    %c0_i32_0 = arith.constant 0 : i32
    %c0_i32_1 = arith.constant 0 : i32
    return %c0_i32, %c0_i32_0 : i32, i32
  }
  func.func @transform_1(%arg0: i32) -> (i32, i32) {
    %c0_i32 = arith.constant 0 : i32
    %c0_i32_0 = arith.constant 0 : i32
    return %c0_i32, %arg0 : i32, i32
  }
  func.func @transform_2(%arg0: i32) -> (i32, i32) {
    %c0_i32 = arith.constant 0 : i32
    %c0_i32_0 = arith.constant 0 : i32
    return %c0_i32, %arg0 : i32, i32
  }
}

module attributes {stable_mosaic.version = 14 : i64} {
  func.func @_mm_body(%arg0: i32, %arg1: memref<2048x1024xf32, #tpu.memory_space<vmem>>, %arg2: memref<1024x256xf32, #tpu.memory_space<vmem>>, %arg3: memref<1x256xf32, #tpu.memory_space<vmem>>, %arg4: memref<2048x256xf32, #tpu.memory_space<vmem>>) attributes {dimension_semantics = [#tpu.dimension_semantics<arbitrary>], iteration_bounds = array<i64: 12>, scalar_prefetch = 0 : i64, scratch_operands = 0 : i64, tpu.core_type = #tpu.core_type<tc>, window_params = [{pipeline_mode = #tpu.pipeline_mode<synchronous>, transform_indices = @transform_0, window_bounds = array<i64: 2048, 1024>}, {transform_indices = @transform_1, window_bounds = array<i64: 1024, 256>}, {transform_indices = @transform_2, window_bounds = array<i64: 1, 256>}, {transform_indices = @transform_3, window_bounds = array<i64: 2048, 256>}]} {
    %get3A = arith.constant 0 : index
    %get3A_0 = arith.constant 0 : index
    %get3A_1 = vector.load %arg1[%get3A, %get3A_0] : memref<2048x1024xf32, #tpu.memory_space<vmem>>, vector<2048x1024xf32>
    %get3A_2 = arith.constant 0 : index
    %get3A_3 = arith.constant 0 : index
    %get3A_4 = vector.load %arg2[%get3A_2, %get3A_3] : memref<1024x256xf32, #tpu.memory_space<vmem>>, vector<1024x256xf32>
    %dot_general3A = arith.constant dense<0.000000e+00> : vector<2048x256xf32>
    %dot_general3A_5 = tpu.matmul %get3A_1, %get3A_4, %dot_general3A {dimension_numbers = #tpu.dot_dimension_numbers<[1], [0], [0], [1], [0, 0, 1, 1], [], []>, transpose_lhs_hint = false} : vector<2048x1024xf32>, vector<1024x256xf32>, vector<2048x256xf32> -> vector<2048x256xf32>
    %get3A_6 = arith.constant 0 : index
    %get3A_7 = arith.constant 0 : index
    %get3A_8 = vector.load %arg3[%get3A_6, %get3A_7] : memref<1x256xf32, #tpu.memory_space<vmem>>, vector<1x256xf32>
    %add3A = vector.broadcast %get3A_8 : vector<1x256xf32> to vector<2048x256xf32>
    %add3A_9 = arith.addf %dot_general3A_5, %add3A : vector<2048x256xf32>
    %swap3A = arith.constant 0 : index
    %swap3A_10 = arith.constant 0 : index
    %swap3A_11 = vector.load %arg4[%swap3A, %swap3A_10] : memref<2048x256xf32, #tpu.memory_space<vmem>>, vector<2048x256xf32>
    tpu.vector_store %arg4[%swap3A, %swap3A_10], %add3A_9 {strides = array<i32>} : memref<2048x256xf32, #tpu.memory_space<vmem>>, vector<2048x256xf32>,
    return
  }
  func.func @transform_0(%arg0: i32) -> (i32, i32) {
    %c0_i32 = arith.constant 0 : i32
    %c0_i32_0 = arith.constant 0 : i32
    %c0_i32_1 = arith.constant 0 : i32
    return %c0_i32, %c0_i32_0 : i32, i32
  }
  func.func @transform_1(%arg0: i32) -> (i32, i32) {
    %c0_i32 = arith.constant 0 : i32
    %c0_i32_0 = arith.constant 0 : i32
    return %c0_i32, %arg0 : i32, i32
  }
  func.func @transform_2(%arg0: i32) -> (i32, i32) {
    %c0_i32 = arith.constant 0 : i32
    %c0_i32_0 = arith.constant 0 : i32
    return %c0_i32, %arg0 : i32, i32
  }
  func.func @transform_3(%arg0: i32) -> (i32, i32) {
    %c0_i32 = arith.constant 0 : i32
    %c0_i32_0 = arith.constant 0 : i32
    return %c0_i32, %arg0 : i32, i32
  }
}

module attributes {stable_mosaic.version = 14 : i64} {
  func.func @_attn_body(%arg0: i32, %arg1: memref<1x1x128xf32, #tpu.memory_space<vmem>>, %arg2: memref<1x1x128xf32, #tpu.memory_space<vmem>>, %arg3: memref<1x1x128xf32, #tpu.memory_space<vmem>>, %arg4: memref<64x1xf32, #tpu.memory_space<vmem>>, %arg5: memref<64x1xf32, #tpu.memory_space<vmem>>, %arg6: memref<64x1xf32, #tpu.memory_space<vmem>>, %arg7: memref<64x1xf32, #tpu.memory_space<vmem>>, %arg8: memref<64x1xi32, #tpu.memory_space<vmem>>, %arg9: memref<64x1xi32, #tpu.memory_space<vmem>>, %arg10: memref<64x1xi32, #tpu.memory_space<vmem>>, %arg11: memref<64x1xi32, #tpu.memory_space<vmem>>, %arg12: memref<128x1024xf32, #tpu.memory_space<vmem>>, %arg13: memref<64x1024xf32, #tpu.memory_space<vmem>>, %arg14: memref<64x1024xf32, #tpu.memory_space<vmem>>, %arg15: memref<64x1024xf32, #tpu.memory_space<vmem>>, %arg16: memref<64x1024xf32, #tpu.memory_space<vmem>>, %arg17: memref<64x1024xf32, #tpu.memory_space<vmem>>, %arg18: memref<64x1024xf32, #tpu.memory_space<vmem>>, %arg19: memref<64x1024xf32, #tpu.memory_space<vmem>>, %arg20: memref<64x1024xf32, #tpu.memory_space<vmem>>, %arg21: memref<1024x1024xf32, #tpu.memory_space<vmem>>, %arg22: memref<1x1024xf32, #tpu.memory_space<vmem>>, %arg23: memref<128x1024xf32, #tpu.memory_space<vmem>>) attributes {dimension_semantics = [#tpu.dimension_semantics<arbitrary>], iteration_bounds = array<i64: 16>, scalar_prefetch = 0 : i64, scratch_operands = 0 : i64, tpu.core_type = #tpu.core_type<tc>, window_params = [{transform_indices = @transform_0, window_bounds = array<i64: 1, 1, 128>}, {transform_indices = @transform_1, window_bounds = array<i64: 1, 1, 128>}, {transform_indices = @transform_2, window_bounds = array<i64: 1, 1, 128>}, {transform_indices = @transform_3, window_bounds = array<i64: 64, 1>}, {transform_indices = @transform_4, window_bounds = array<i64: 64, 1>}, {transform_indices = @transform_5, window_bounds = array<i64: 64, 1>}, {transform_indices = @transform_6, window_bounds = array<i64: 64, 1>}, {transform_indices = @transform_7, window_bounds = array<i64: 64, 1>}, {transform_indices = @transform_8, window_bounds = array<i64: 64, 1>}, {transform_indices = @transform_9, window_bounds = array<i64: 64, 1>}, {transform_indices = @transform_10, window_bounds = array<i64: 64, 1>}, {transform_indices = @transform_11, window_bounds = array<i64: 128, 1024>}, {transform_indices = @transform_12, window_bounds = array<i64: 64, 1024>}, {transform_indices = @transform_13, window_bounds = array<i64: 64, 1024>}, {transform_indices = @transform_14, window_bounds = array<i64: 64, 1024>}, {transform_indices = @transform_15, window_bounds = array<i64: 64, 1024>}, {transform_indices = @transform_16, window_bounds = array<i64: 64, 1024>}, {transform_indices = @transform_17, window_bounds = array<i64: 64, 1024>}, {transform_indices = @transform_18, window_bounds = array<i64: 64, 1024>}, {transform_indices = @transform_19, window_bounds = array<i64: 64, 1024>}, {pipeline_mode = #tpu.pipeline_mode<synchronous>, transform_indices = @transform_20, window_bounds = array<i64: 1024, 1024>}, {pipeline_mode = #tpu.pipeline_mode<synchronous>, transform_indices = @transform_21, window_bounds = array<i64: 1, 1024>}, {transform_indices = @transform_22, window_bounds = array<i64: 128, 1024>}]} {
    %get3A = arith.constant 0 : index
    %get3A_0 = arith.constant 0 : index
    %get3A_1 = arith.constant 0 : index
    %get3A_2 = vector.load %arg1[%get3A, %get3A_0, %get3A_1] : memref<1x1x128xf32, #tpu.memory_space<vmem>>, vector<1x1x128xf32>
    %get3A_3 = vector.shape_cast %get3A_2 : vector<1x1x128xf32> to vector<1x128xf32>
    %get3A_4 = arith.constant 0 : index
    %get3A_5 = arith.constant 0 : index
    %get3A_6 = arith.constant 0 : index
    %get3A_7 = vector.load %arg2[%get3A_4, %get3A_5, %get3A_6] : memref<1x1x128xf32, #tpu.memory_space<vmem>>, vector<1x1x128xf32>
    %get3A_8 = vector.shape_cast %get3A_7 : vector<1x1x128xf32> to vector<1x128xf32>
    %get3A_9 = arith.constant 0 : index
    %get3A_10 = arith.constant 0 : index
    %get3A_11 = arith.constant 0 : index
    %get3A_12 = vector.load %arg3[%get3A_9, %get3A_10, %get3A_11] : memref<1x1x128xf32, #tpu.memory_space<vmem>>, vector<1x1x128xf32>
    %get3A_13 = vector.shape_cast %get3A_12 : vector<1x1x128xf32> to vector<1x128xf32>
    %concatenate3A = tpu.concatenate %get3A_3, %get3A_8, %get3A_13 in 1 : vector<1x128xf32>, vector<1x128xf32>, vector<1x128xf32> -> vector<1x384xf32>
    %slice3A = vector.extract_strided_slice %concatenate3A {offsets = [0, 128], sizes = [1, 128], strides = [1, 1]} : vector<1x384xf32> to vector<1x128xf32>
    %mul3A = arith.constant 128 : i32
    %mul3A_14 = arith.muli %arg0, %mul3A : i32
    %iota3A = tpu.iota {dimensions = array<i32: 1>} : vector<1x128xi32>
    %add3A = vector.broadcast %mul3A_14 : i32 to vector<1x128xi32>
    %add3A_15 = arith.addi %add3A, %iota3A : vector<1x128xi32>
    %broadcast_in_dim3A = arith.constant 0x7F800000 : f32
    %broadcast_in_dim3A_16 = vector.broadcast %broadcast_in_dim3A : f32 to vector<1x128xf32>
    %slice3A_17 = vector.extract_strided_slice %concatenate3A {offsets = [0, 128], sizes = [1, 128], strides = [1, 1]} : vector<1x384xf32> to vector<1x128xf32>
    %slice3A_18 = vector.extract_strided_slice %concatenate3A {offsets = [0, 159], sizes = [1, 128], strides = [1, 1]} : vector<1x384xf32> to vector<1x128xf32>
    %sub3A = arith.subf %slice3A, %slice3A_17 : vector<1x128xf32>
    %sub3A_19 = arith.subf %slice3A_18, %slice3A : vector<1x128xf32>
    %max3A = arith.maximumf %sub3A, %sub3A_19 : vector<1x128xf32>
    %sub3A_20 = arith.constant 0 : i32
    %sub3A_21 = vector.broadcast %sub3A_20 : i32 to vector<1x128xi32>
    %sub3A_22 = arith.subi %add3A_15, %sub3A_21 : vector<1x128xi32>
    %ge3A = arith.constant 0 : i32
    %ge3A_23 = vector.broadcast %ge3A : i32 to vector<1x128xi32>
    %ge3A_24 = arith.cmpi sge, %sub3A_22, %ge3A_23 : vector<1x128xi32>
    %le3A = arith.constant 2016 : i32
    %le3A_25 = vector.broadcast %le3A : i32 to vector<1x128xi32>
    %le3A_26 = arith.cmpi sle, %sub3A_22, %le3A_25 : vector<1x128xi32>
    %and3A = arith.andi %ge3A_24, %le3A_26 : vector<1x128xi1>
    %jit3A = arith.constant 0x7F800000 : f32
    %broadcast_in_dim3A_27 = vector.broadcast %jit3A : f32 to vector<1x128xf32>
    %select_n3A = arith.select %and3A, %max3A, %broadcast_in_dim3A_27 : vector<1x128xi1>, vector<1x128xf32>
    %min3A = arith.minimumf %broadcast_in_dim3A_16, %select_n3A : vector<1x128xf32>
    %slice3A_28 = vector.extract_strided_slice %concatenate3A {offsets = [0, 127], sizes = [1, 128], strides = [1, 1]} : vector<1x384xf32> to vector<1x128xf32>
    %slice3A_29 = vector.extract_strided_slice %concatenate3A {offsets = [0, 158], sizes = [1, 128], strides = [1, 1]} : vector<1x384xf32> to vector<1x128xf32>
    %sub3A_30 = arith.subf %slice3A, %slice3A_28 : vector<1x128xf32>
    %sub3A_31 = arith.subf %slice3A_29, %slice3A : vector<1x128xf32>
    %max3A_32 = arith.maximumf %sub3A_30, %sub3A_31 : vector<1x128xf32>
    %sub3A_33 = arith.constant 1 : i32
    %sub3A_34 = vector.broadcast %sub3A_33 : i32 to vector<1x128xi32>
    %sub3A_35 = arith.subi %add3A_15, %sub3A_34 : vector<1x128xi32>
    %ge3A_36 = arith.constant 0 : i32
    %ge3A_37 = vector.broadcast %ge3A_36 : i32 to vector<1x128xi32>
    %ge3A_38 = arith.cmpi sge, %sub3A_35, %ge3A_37 : vector<1x128xi32>
    %le3A_39 = arith.constant 2016 : i32
    %le3A_40 = vector.broadcast %le3A_39 : i32 to vector<1x128xi32>
    %le3A_41 = arith.cmpi sle, %sub3A_35, %le3A_40 : vector<1x128xi32>
    %and3A_42 = arith.andi %ge3A_38, %le3A_41 : vector<1x128xi1>
    %jit3A_43 = arith.constant 0x7F800000 : f32
    %broadcast_in_dim3A_44 = vector.broadcast %jit3A_43 : f32 to vector<1x128xf32>
    %select_n3A_45 = arith.select %and3A_42, %max3A_32, %broadcast_in_dim3A_44 : vector<1x128xi1>, vector<1x128xf32>
    %min3A_46 = arith.minimumf %min3A, %select_n3A_45 : vector<1x128xf32>
    %slice3A_47 = vector.extract_strided_slice %concatenate3A {offsets = [0, 126], sizes = [1, 128], strides = [1, 1]} : vector<1x384xf32> to vector<1x128xf32>
    %slice3A_48 = vector.extract_strided_slice %concatenate3A {offsets = [0, 157], sizes = [1, 128], strides = [1, 1]} : vector<1x384xf32> to vector<1x128xf32>
    %sub3A_49 = arith.subf %slice3A, %slice3A_47 : vector<1x128xf32>
    %sub3A_50 = arith.subf %slice3A_48, %slice3A : vector<1x128xf32>
    %max3A_51 = arith.maximumf %sub3A_49, %sub3A_50 : vector<1x128xf32>
    %sub3A_52 = arith.constant 2 : i32
    %sub3A_53 = vector.broadcast %sub3A_52 : i32 to vector<1x128xi32>
    %sub3A_54 = arith.subi %add3A_15, %sub3A_53 : vector<1x128xi32>
    %ge3A_55 = arith.constant 0 : i32
    %ge3A_56 = vector.broadcast %ge3A_55 : i32 to vector<1x128xi32>
    %ge3A_57 = arith.cmpi sge, %sub3A_54, %ge3A_56 : vector<1x128xi32>
    %le3A_58 = arith.constant 2016 : i32
    %le3A_59 = vector.broadcast %le3A_58 : i32 to vector<1x128xi32>
    %le3A_60 = arith.cmpi sle, %sub3A_54, %le3A_59 : vector<1x128xi32>
    %and3A_61 = arith.andi %ge3A_57, %le3A_60 : vector<1x128xi1>
    %jit3A_62 = arith.constant 0x7F800000 : f32
    %broadcast_in_dim3A_63 = vector.broadcast %jit3A_62 : f32 to vector<1x128xf32>
    %select_n3A_64 = arith.select %and3A_61, %max3A_51, %broadcast_in_dim3A_63 : vector<1x128xi1>, vector<1x128xf32>
    %min3A_65 = arith.minimumf %min3A_46, %select_n3A_64 : vector<1x128xf32>
    %slice3A_66 = vector.extract_strided_slice %concatenate3A {offsets = [0, 125], sizes = [1, 128], strides = [1, 1]} : vector<1x384xf32> to vector<1x128xf32>
    %slice3A_67 = vector.extract_strided_slice %concatenate3A {offsets = [0, 156], sizes = [1, 128], strides = [1, 1]} : vector<1x384xf32> to vector<1x128xf32>
    %sub3A_68 = arith.subf %slice3A, %slice3A_66 : vector<1x128xf32>
    %sub3A_69 = arith.subf %slice3A_67, %slice3A : vector<1x128xf32>
    %max3A_70 = arith.maximumf %sub3A_68, %sub3A_69 : vector<1x128xf32>
    %sub3A_71 = arith.constant 3 : i32
    %sub3A_72 = vector.broadcast %sub3A_71 : i32 to vector<1x128xi32>
    %sub3A_73 = arith.subi %add3A_15, %sub3A_72 : vector<1x128xi32>
    %ge3A_74 = arith.constant 0 : i32
    %ge3A_75 = vector.broadcast %ge3A_74 : i32 to vector<1x128xi32>
    %ge3A_76 = arith.cmpi sge, %sub3A_73, %ge3A_75 : vector<1x128xi32>
    %le3A_77 = arith.constant 2016 : i32
    %le3A_78 = vector.broadcast %le3A_77 : i32 to vector<1x128xi32>
    %le3A_79 = arith.cmpi sle, %sub3A_73, %le3A_78 : vector<1x128xi32>
    %and3A_80 = arith.andi %ge3A_76, %le3A_79 : vector<1x128xi1>
    %jit3A_81 = arith.constant 0x7F800000 : f32
    %broadcast_in_dim3A_82 = vector.broadcast %jit3A_81 : f32 to vector<1x128xf32>
    %select_n3A_83 = arith.select %and3A_80, %max3A_70, %broadcast_in_dim3A_82 : vector<1x128xi1>, vector<1x128xf32>
    %min3A_84 = arith.minimumf %min3A_65, %select_n3A_83 : vector<1x128xf32>
    %slice3A_85 = vector.extract_strided_slice %concatenate3A {offsets = [0, 124], sizes = [1, 128], strides = [1, 1]} : vector<1x384xf32> to vector<1x128xf32>
    %slice3A_86 = vector.extract_strided_slice %concatenate3A {offsets = [0, 155], sizes = [1, 128], strides = [1, 1]} : vector<1x384xf32> to vector<1x128xf32>
    %sub3A_87 = arith.subf %slice3A, %slice3A_85 : vector<1x128xf32>
    %sub3A_88 = arith.subf %slice3A_86, %slice3A : vector<1x128xf32>
    %max3A_89 = arith.maximumf %sub3A_87, %sub3A_88 : vector<1x128xf32>
    %sub3A_90 = arith.constant 4 : i32
    %sub3A_91 = vector.broadcast %sub3A_90 : i32 to vector<1x128xi32>
    %sub3A_92 = arith.subi %add3A_15, %sub3A_91 : vector<1x128xi32>
    %ge3A_93 = arith.constant 0 : i32
    %ge3A_94 = vector.broadcast %ge3A_93 : i32 to vector<1x128xi32>
    %ge3A_95 = arith.cmpi sge, %sub3A_92, %ge3A_94 : vector<1x128xi32>
    %le3A_96 = arith.constant 2016 : i32
    %le3A_97 = vector.broadcast %le3A_96 : i32 to vector<1x128xi32>
    %le3A_98 = arith.cmpi sle, %sub3A_92, %le3A_97 : vector<1x128xi32>
    %and3A_99 = arith.andi %ge3A_95, %le3A_98 : vector<1x128xi1>
    %jit3A_100 = arith.constant 0x7F800000 : f32
    %broadcast_in_dim3A_101 = vector.broadcast %jit3A_100 : f32 to vector<1x128xf32>
    %select_n3A_102 = arith.select %and3A_99, %max3A_89, %broadcast_in_dim3A_101 : vector<1x128xi1>, vector<1x128xf32>
    %min3A_103 = arith.minimumf %min3A_84, %select_n3A_102 : vector<1x128xf32>
    %slice3A_104 = vector.extract_strided_slice %concatenate3A {offsets = [0, 123], sizes = [1, 128], strides = [1, 1]} : vector<1x384xf32> to vector<1x128xf32>
    %slice3A_105 = vector.extract_strided_slice %concatenate3A {offsets = [0, 154], sizes = [1, 128], strides = [1, 1]} : vector<1x384xf32> to vector<1x128xf32>
    %sub3A_106 = arith.subf %slice3A, %slice3A_104 : vector<1x128xf32>
    %sub3A_107 = arith.subf %slice3A_105, %slice3A : vector<1x128xf32>
    %max3A_108 = arith.maximumf %sub3A_106, %sub3A_107 : vector<1x128xf32>
    %sub3A_109 = arith.constant 5 : i32
    %sub3A_110 = vector.broadcast %sub3A_109 : i32 to vector<1x128xi32>
    %sub3A_111 = arith.subi %add3A_15, %sub3A_110 : vector<1x128xi32>
    %ge3A_112 = arith.constant 0 : i32
    %ge3A_113 = vector.broadcast %ge3A_112 : i32 to vector<1x128xi32>
    %ge3A_114 = arith.cmpi sge, %sub3A_111, %ge3A_113 : vector<1x128xi32>
    %le3A_115 = arith.constant 2016 : i32
    %le3A_116 = vector.broadcast %le3A_115 : i32 to vector<1x128xi32>
    %le3A_117 = arith.cmpi sle, %sub3A_111, %le3A_116 : vector<1x128xi32>
    %and3A_118 = arith.andi %ge3A_114, %le3A_117 : vector<1x128xi1>
    %jit3A_119 = arith.constant 0x7F800000 : f32
    %broadcast_in_dim3A_120 = vector.broadcast %jit3A_119 : f32 to vector<1x128xf32>
    %select_n3A_121 = arith.select %and3A_118, %max3A_108, %broadcast_in_dim3A_120 : vector<1x128xi1>, vector<1x128xf32>
    %min3A_122 = arith.minimumf %min3A_103, %select_n3A_121 : vector<1x128xf32>
    %slice3A_123 = vector.extract_strided_slice %concatenate3A {offsets = [0, 122], sizes = [1, 128], strides = [1, 1]} : vector<1x384xf32> to vector<1x128xf32>
    %slice3A_124 = vector.extract_strided_slice %concatenate3A {offsets = [0, 153], sizes = [1, 128], strides = [1, 1]} : vector<1x384xf32> to vector<1x128xf32>
    %sub3A_125 = arith.subf %slice3A, %slice3A_123 : vector<1x128xf32>
    %sub3A_126 = arith.subf %slice3A_124, %slice3A : vector<1x128xf32>
    %max3A_127 = arith.maximumf %sub3A_125, %sub3A_126 : vector<1x128xf32>
    %sub3A_128 = arith.constant 6 : i32
    %sub3A_129 = vector.broadcast %sub3A_128 : i32 to vector<1x128xi32>
    %sub3A_130 = arith.subi %add3A_15, %sub3A_129 : vector<1x128xi32>
    %ge3A_131 = arith.constant 0 : i32
    %ge3A_132 = vector.broadcast %ge3A_131 : i32 to vector<1x128xi32>
    %ge3A_133 = arith.cmpi sge, %sub3A_130, %ge3A_132 : vector<1x128xi32>
    %le3A_134 = arith.constant 2016 : i32
    %le3A_135 = vector.broadcast %le3A_134 : i32 to vector<1x128xi32>
    %le3A_136 = arith.cmpi sle, %sub3A_130, %le3A_135 : vector<1x128xi32>
    %and3A_137 = arith.andi %ge3A_133, %le3A_136 : vector<1x128xi1>
    %jit3A_138 = arith.constant 0x7F800000 : f32
    %broadcast_in_dim3A_139 = vector.broadcast %jit3A_138 : f32 to vector<1x128xf32>
    %select_n3A_140 = arith.select %and3A_137, %max3A_127, %broadcast_in_dim3A_139 : vector<1x128xi1>, vector<1x128xf32>
    %min3A_141 = arith.minimumf %min3A_122, %select_n3A_140 : vector<1x128xf32>
    %slice3A_142 = vector.extract_strided_slice %concatenate3A {offsets = [0, 121], sizes = [1, 128], strides = [1, 1]} : vector<1x384xf32> to vector<1x128xf32>
    %slice3A_143 = vector.extract_strided_slice %concatenate3A {offsets = [0, 152], sizes = [1, 128], strides = [1, 1]} : vector<1x384xf32> to vector<1x128xf32>
    %sub3A_144 = arith.subf %slice3A, %slice3A_142 : vector<1x128xf32>
    %sub3A_145 = arith.subf %slice3A_143, %slice3A : vector<1x128xf32>
    %max3A_146 = arith.maximumf %sub3A_144, %sub3A_145 : vector<1x128xf32>
    %sub3A_147 = arith.constant 7 : i32
    %sub3A_148 = vector.broadcast %sub3A_147 : i32 to vector<1x128xi32>
    %sub3A_149 = arith.subi %add3A_15, %sub3A_148 : vector<1x128xi32>
    %ge3A_150 = arith.constant 0 : i32
    %ge3A_151 = vector.broadcast %ge3A_150 : i32 to vector<1x128xi32>
    %ge3A_152 = arith.cmpi sge, %sub3A_149, %ge3A_151 : vector<1x128xi32>
    %le3A_153 = arith.constant 2016 : i32
    %le3A_154 = vector.broadcast %le3A_153 : i32 to vector<1x128xi32>
    %le3A_155 = arith.cmpi sle, %sub3A_149, %le3A_154 : vector<1x128xi32>
    %and3A_156 = arith.andi %ge3A_152, %le3A_155 : vector<1x128xi1>
    %jit3A_157 = arith.constant 0x7F800000 : f32
    %broadcast_in_dim3A_158 = vector.broadcast %jit3A_157 : f32 to vector<1x128xf32>
    %select_n3A_159 = arith.select %and3A_156, %max3A_146, %broadcast_in_dim3A_158 : vector<1x128xi1>, vector<1x128xf32>
    %min3A_160 = arith.minimumf %min3A_141, %select_n3A_159 : vector<1x128xf32>
    %slice3A_161 = vector.extract_strided_slice %concatenate3A {offsets = [0, 120], sizes = [1, 128], strides = [1, 1]} : vector<1x384xf32> to vector<1x128xf32>
    %slice3A_162 = vector.extract_strided_slice %concatenate3A {offsets = [0, 151], sizes = [1, 128], strides = [1, 1]} : vector<1x384xf32> to vector<1x128xf32>
    %sub3A_163 = arith.subf %slice3A, %slice3A_161 : vector<1x128xf32>
    %sub3A_164 = arith.subf %slice3A_162, %slice3A : vector<1x128xf32>
    %max3A_165 = arith.maximumf %sub3A_163, %sub3A_164 : vector<1x128xf32>
    %sub3A_166 = arith.constant 8 : i32
    %sub3A_167 = vector.broadcast %sub3A_166 : i32 to vector<1x128xi32>
    %sub3A_168 = arith.subi %add3A_15, %sub3A_167 : vector<1x128xi32>
    %ge3A_169 = arith.constant 0 : i32
    %ge3A_170 = vector.broadcast %ge3A_169 : i32 to vector<1x128xi32>
    %ge3A_171 = arith.cmpi sge, %sub3A_168, %ge3A_170 : vector<1x128xi32>
    %le3A_172 = arith.constant 2016 : i32
    %le3A_173 = vector.broadcast %le3A_172 : i32 to vector<1x128xi32>
    %le3A_174 = arith.cmpi sle, %sub3A_168, %le3A_173 : vector<1x128xi32>
    %and3A_175 = arith.andi %ge3A_171, %le3A_174 : vector<1x128xi1>
    %jit3A_176 = arith.constant 0x7F800000 : f32
    %broadcast_in_dim3A_177 = vector.broadcast %jit3A_176 : f32 to vector<1x128xf32>
    %select_n3A_178 = arith.select %and3A_175, %max3A_165, %broadcast_in_dim3A_177 : vector<1x128xi1>, vector<1x128xf32>
    %min3A_179 = arith.minimumf %min3A_160, %select_n3A_178 : vector<1x128xf32>
    %slice3A_180 = vector.extract_strided_slice %concatenate3A {offsets = [0, 119], sizes = [1, 128], strides = [1, 1]} : vector<1x384xf32> to vector<1x128xf32>
    %slice3A_181 = vector.extract_strided_slice %concatenate3A {offsets = [0, 150], sizes = [1, 128], strides = [1, 1]} : vector<1x384xf32> to vector<1x128xf32>
    %sub3A_182 = arith.subf %slice3A, %slice3A_180 : vector<1x128xf32>
    %sub3A_183 = arith.subf %slice3A_181, %slice3A : vector<1x128xf32>
    %max3A_184 = arith.maximumf %sub3A_182, %sub3A_183 : vector<1x128xf32>
    %sub3A_185 = arith.constant 9 : i32
    %sub3A_186 = vector.broadcast %sub3A_185 : i32 to vector<1x128xi32>
    %sub3A_187 = arith.subi %add3A_15, %sub3A_186 : vector<1x128xi32>
    %ge3A_188 = arith.constant 0 : i32
    %ge3A_189 = vector.broadcast %ge3A_188 : i32 to vector<1x128xi32>
    %ge3A_190 = arith.cmpi sge, %sub3A_187, %ge3A_189 : vector<1x128xi32>
    %le3A_191 = arith.constant 2016 : i32
    %le3A_192 = vector.broadcast %le3A_191 : i32 to vector<1x128xi32>
    %le3A_193 = arith.cmpi sle, %sub3A_187, %le3A_192 : vector<1x128xi32>
    %and3A_194 = arith.andi %ge3A_190, %le3A_193 : vector<1x128xi1>
    %jit3A_195 = arith.constant 0x7F800000 : f32
    %broadcast_in_dim3A_196 = vector.broadcast %jit3A_195 : f32 to vector<1x128xf32>
    %select_n3A_197 = arith.select %and3A_194, %max3A_184, %broadcast_in_dim3A_196 : vector<1x128xi1>, vector<1x128xf32>
    %min3A_198 = arith.minimumf %min3A_179, %select_n3A_197 : vector<1x128xf32>
    %slice3A_199 = vector.extract_strided_slice %concatenate3A {offsets = [0, 118], sizes = [1, 128], strides = [1, 1]} : vector<1x384xf32> to vector<1x128xf32>
    %slice3A_200 = vector.extract_strided_slice %concatenate3A {offsets = [0, 149], sizes = [1, 128], strides = [1, 1]} : vector<1x384xf32> to vector<1x128xf32>
    %sub3A_201 = arith.subf %slice3A, %slice3A_199 : vector<1x128xf32>
    %sub3A_202 = arith.subf %slice3A_200, %slice3A : vector<1x128xf32>
    %max3A_203 = arith.maximumf %sub3A_201, %sub3A_202 : vector<1x128xf32>
    %sub3A_204 = arith.constant 10 : i32
    %sub3A_205 = vector.broadcast %sub3A_204 : i32 to vector<1x128xi32>
    %sub3A_206 = arith.subi %add3A_15, %sub3A_205 : vector<1x128xi32>
    %ge3A_207 = arith.constant 0 : i32
    %ge3A_208 = vector.broadcast %ge3A_207 : i32 to vector<1x128xi32>
    %ge3A_209 = arith.cmpi sge, %sub3A_206, %ge3A_208 : vector<1x128xi32>
    %le3A_210 = arith.constant 2016 : i32
    %le3A_211 = vector.broadcast %le3A_210 : i32 to vector<1x128xi32>
    %le3A_212 = arith.cmpi sle, %sub3A_206, %le3A_211 : vector<1x128xi32>
    %and3A_213 = arith.andi %ge3A_209, %le3A_212 : vector<1x128xi1>
    %jit3A_214 = arith.constant 0x7F800000 : f32
    %broadcast_in_dim3A_215 = vector.broadcast %jit3A_214 : f32 to vector<1x128xf32>
    %select_n3A_216 = arith.select %and3A_213, %max3A_203, %broadcast_in_dim3A_215 : vector<1x128xi1>, vector<1x128xf32>
    %min3A_217 = arith.minimumf %min3A_198, %select_n3A_216 : vector<1x128xf32>
    %slice3A_218 = vector.extract_strided_slice %concatenate3A {offsets = [0, 117], sizes = [1, 128], strides = [1, 1]} : vector<1x384xf32> to vector<1x128xf32>
    %slice3A_219 = vector.extract_strided_slice %concatenate3A {offsets = [0, 148], sizes = [1, 128], strides = [1, 1]} : vector<1x384xf32> to vector<1x128xf32>
    %sub3A_220 = arith.subf %slice3A, %slice3A_218 : vector<1x128xf32>
    %sub3A_221 = arith.subf %slice3A_219, %slice3A : vector<1x128xf32>
    %max3A_222 = arith.maximumf %sub3A_220, %sub3A_221 : vector<1x128xf32>
    %sub3A_223 = arith.constant 11 : i32
    %sub3A_224 = vector.broadcast %sub3A_223 : i32 to vector<1x128xi32>
    %sub3A_225 = arith.subi %add3A_15, %sub3A_224 : vector<1x128xi32>
    %ge3A_226 = arith.constant 0 : i32
    %ge3A_227 = vector.broadcast %ge3A_226 : i32 to vector<1x128xi32>
    %ge3A_228 = arith.cmpi sge, %sub3A_225, %ge3A_227 : vector<1x128xi32>
    %le3A_229 = arith.constant 2016 : i32
    %le3A_230 = vector.broadcast %le3A_229 : i32 to vector<1x128xi32>
    %le3A_231 = arith.cmpi sle, %sub3A_225, %le3A_230 : vector<1x128xi32>
    %and3A_232 = arith.andi %ge3A_228, %le3A_231 : vector<1x128xi1>
    %jit3A_233 = arith.constant 0x7F800000 : f32
    %broadcast_in_dim3A_234 = vector.broadcast %jit3A_233 : f32 to vector<1x128xf32>
    %select_n3A_235 = arith.select %and3A_232, %max3A_222, %broadcast_in_dim3A_234 : vector<1x128xi1>, vector<1x128xf32>
    %min3A_236 = arith.minimumf %min3A_217, %select_n3A_235 : vector<1x128xf32>
    %slice3A_237 = vector.extract_strided_slice %concatenate3A {offsets = [0, 116], sizes = [1, 128], strides = [1, 1]} : vector<1x384xf32> to vector<1x128xf32>
    %slice3A_238 = vector.extract_strided_slice %concatenate3A {offsets = [0, 147], sizes = [1, 128], strides = [1, 1]} : vector<1x384xf32> to vector<1x128xf32>
    %sub3A_239 = arith.subf %slice3A, %slice3A_237 : vector<1x128xf32>
    %sub3A_240 = arith.subf %slice3A_238, %slice3A : vector<1x128xf32>
    %max3A_241 = arith.maximumf %sub3A_239, %sub3A_240 : vector<1x128xf32>
    %sub3A_242 = arith.constant 12 : i32
    %sub3A_243 = vector.broadcast %sub3A_242 : i32 to vector<1x128xi32>
    %sub3A_244 = arith.subi %add3A_15, %sub3A_243 : vector<1x128xi32>
    %ge3A_245 = arith.constant 0 : i32
    %ge3A_246 = vector.broadcast %ge3A_245 : i32 to vector<1x128xi32>
    %ge3A_247 = arith.cmpi sge, %sub3A_244, %ge3A_246 : vector<1x128xi32>
    %le3A_248 = arith.constant 2016 : i32
    %le3A_249 = vector.broadcast %le3A_248 : i32 to vector<1x128xi32>
    %le3A_250 = arith.cmpi sle, %sub3A_244, %le3A_249 : vector<1x128xi32>
    %and3A_251 = arith.andi %ge3A_247, %le3A_250 : vector<1x128xi1>
    %jit3A_252 = arith.constant 0x7F800000 : f32
    %broadcast_in_dim3A_253 = vector.broadcast %jit3A_252 : f32 to vector<1x128xf32>
    %select_n3A_254 = arith.select %and3A_251, %max3A_241, %broadcast_in_dim3A_253 : vector<1x128xi1>, vector<1x128xf32>
    %min3A_255 = arith.minimumf %min3A_236, %select_n3A_254 : vector<1x128xf32>
    %slice3A_256 = vector.extract_strided_slice %concatenate3A {offsets = [0, 115], sizes = [1, 128], strides = [1, 1]} : vector<1x384xf32> to vector<1x128xf32>
    %slice3A_257 = vector.extract_strided_slice %concatenate3A {offsets = [0, 146], sizes = [1, 128], strides = [1, 1]} : vector<1x384xf32> to vector<1x128xf32>
    %sub3A_258 = arith.subf %slice3A, %slice3A_256 : vector<1x128xf32>
    %sub3A_259 = arith.subf %slice3A_257, %slice3A : vector<1x128xf32>
    %max3A_260 = arith.maximumf %sub3A_258, %sub3A_259 : vector<1x128xf32>
    %sub3A_261 = arith.constant 13 : i32
    %sub3A_262 = vector.broadcast %sub3A_261 : i32 to vector<1x128xi32>
    %sub3A_263 = arith.subi %add3A_15, %sub3A_262 : vector<1x128xi32>
    %ge3A_264 = arith.constant 0 : i32
    %ge3A_265 = vector.broadcast %ge3A_264 : i32 to vector<1x128xi32>
    %ge3A_266 = arith.cmpi sge, %sub3A_263, %ge3A_265 : vector<1x128xi32>
    %le3A_267 = arith.constant 2016 : i32
    %le3A_268 = vector.broadcast %le3A_267 : i32 to vector<1x128xi32>
    %le3A_269 = arith.cmpi sle, %sub3A_263, %le3A_268 : vector<1x128xi32>
    %and3A_270 = arith.andi %ge3A_266, %le3A_269 : vector<1x128xi1>
    %jit3A_271 = arith.constant 0x7F800000 : f32
    %broadcast_in_dim3A_272 = vector.broadcast %jit3A_271 : f32 to vector<1x128xf32>
    %select_n3A_273 = arith.select %and3A_270, %max3A_260, %broadcast_in_dim3A_272 : vector<1x128xi1>, vector<1x128xf32>
    %min3A_274 = arith.minimumf %min3A_255, %select_n3A_273 : vector<1x128xf32>
    %slice3A_275 = vector.extract_strided_slice %concatenate3A {offsets = [0, 114], sizes = [1, 128], strides = [1, 1]} : vector<1x384xf32> to vector<1x128xf32>
    %slice3A_276 = vector.extract_strided_slice %concatenate3A {offsets = [0, 145], sizes = [1, 128], strides = [1, 1]} : vector<1x384xf32> to vector<1x128xf32>
    %sub3A_277 = arith.subf %slice3A, %slice3A_275 : vector<1x128xf32>
    %sub3A_278 = arith.subf %slice3A_276, %slice3A : vector<1x128xf32>
    %max3A_279 = arith.maximumf %sub3A_277, %sub3A_278 : vector<1x128xf32>
    %sub3A_280 = arith.constant 14 : i32
    %sub3A_281 = vector.broadcast %sub3A_280 : i32 to vector<1x128xi32>
    %sub3A_282 = arith.subi %add3A_15, %sub3A_281 : vector<1x128xi32>
    %ge3A_283 = arith.constant 0 : i32
    %ge3A_284 = vector.broadcast %ge3A_283 : i32 to vector<1x128xi32>
    %ge3A_285 = arith.cmpi sge, %sub3A_282, %ge3A_284 : vector<1x128xi32>
    %le3A_286 = arith.constant 2016 : i32
    %le3A_287 = vector.broadcast %le3A_286 : i32 to vector<1x128xi32>
    %le3A_288 = arith.cmpi sle, %sub3A_282, %le3A_287 : vector<1x128xi32>
    %and3A_289 = arith.andi %ge3A_285, %le3A_288 : vector<1x128xi1>
    %jit3A_290 = arith.constant 0x7F800000 : f32
    %broadcast_in_dim3A_291 = vector.broadcast %jit3A_290 : f32 to vector<1x128xf32>
    %select_n3A_292 = arith.select %and3A_289, %max3A_279, %broadcast_in_dim3A_291 : vector<1x128xi1>, vector<1x128xf32>
    %min3A_293 = arith.minimumf %min3A_274, %select_n3A_292 : vector<1x128xf32>
    %slice3A_294 = vector.extract_strided_slice %concatenate3A {offsets = [0, 113], sizes = [1, 128], strides = [1, 1]} : vector<1x384xf32> to vector<1x128xf32>
    %slice3A_295 = vector.extract_strided_slice %concatenate3A {offsets = [0, 144], sizes = [1, 128], strides = [1, 1]} : vector<1x384xf32> to vector<1x128xf32>
    %sub3A_296 = arith.subf %slice3A, %slice3A_294 : vector<1x128xf32>
    %sub3A_297 = arith.subf %slice3A_295, %slice3A : vector<1x128xf32>
    %max3A_298 = arith.maximumf %sub3A_296, %sub3A_297 : vector<1x128xf32>
    %sub3A_299 = arith.constant 15 : i32
    %sub3A_300 = vector.broadcast %sub3A_299 : i32 to vector<1x128xi32>
    %sub3A_301 = arith.subi %add3A_15, %sub3A_300 : vector<1x128xi32>
    %ge3A_302 = arith.constant 0 : i32
    %ge3A_303 = vector.broadcast %ge3A_302 : i32 to vector<1x128xi32>
    %ge3A_304 = arith.cmpi sge, %sub3A_301, %ge3A_303 : vector<1x128xi32>
    %le3A_305 = arith.constant 2016 : i32
    %le3A_306 = vector.broadcast %le3A_305 : i32 to vector<1x128xi32>
    %le3A_307 = arith.cmpi sle, %sub3A_301, %le3A_306 : vector<1x128xi32>
    %and3A_308 = arith.andi %ge3A_304, %le3A_307 : vector<1x128xi1>
    %jit3A_309 = arith.constant 0x7F800000 : f32
    %broadcast_in_dim3A_310 = vector.broadcast %jit3A_309 : f32 to vector<1x128xf32>
    %select_n3A_311 = arith.select %and3A_308, %max3A_298, %broadcast_in_dim3A_310 : vector<1x128xi1>, vector<1x128xf32>
    %min3A_312 = arith.minimumf %min3A_293, %select_n3A_311 : vector<1x128xf32>
    %slice3A_313 = vector.extract_strided_slice %concatenate3A {offsets = [0, 112], sizes = [1, 128], strides = [1, 1]} : vector<1x384xf32> to vector<1x128xf32>
    %slice3A_314 = vector.extract_strided_slice %concatenate3A {offsets = [0, 143], sizes = [1, 128], strides = [1, 1]} : vector<1x384xf32> to vector<1x128xf32>
    %sub3A_315 = arith.subf %slice3A, %slice3A_313 : vector<1x128xf32>
    %sub3A_316 = arith.subf %slice3A_314, %slice3A : vector<1x128xf32>
    %max3A_317 = arith.maximumf %sub3A_315, %sub3A_316 : vector<1x128xf32>
    %sub3A_318 = arith.constant 16 : i32
    %sub3A_319 = vector.broadcast %sub3A_318 : i32 to vector<1x128xi32>
    %sub3A_320 = arith.subi %add3A_15, %sub3A_319 : vector<1x128xi32>
    %ge3A_321 = arith.constant 0 : i32
    %ge3A_322 = vector.broadcast %ge3A_321 : i32 to vector<1x128xi32>
    %ge3A_323 = arith.cmpi sge, %sub3A_320, %ge3A_322 : vector<1x128xi32>
    %le3A_324 = arith.constant 2016 : i32
    %le3A_325 = vector.broadcast %le3A_324 : i32 to vector<1x128xi32>
    %le3A_326 = arith.cmpi sle, %sub3A_320, %le3A_325 : vector<1x128xi32>
    %and3A_327 = arith.andi %ge3A_323, %le3A_326 : vector<1x128xi1>
    %jit3A_328 = arith.constant 0x7F800000 : f32
    %broadcast_in_dim3A_329 = vector.broadcast %jit3A_328 : f32 to vector<1x128xf32>
    %select_n3A_330 = arith.select %and3A_327, %max3A_317, %broadcast_in_dim3A_329 : vector<1x128xi1>, vector<1x128xf32>
    %min3A_331 = arith.minimumf %min3A_312, %select_n3A_330 : vector<1x128xf32>
    %slice3A_332 = vector.extract_strided_slice %concatenate3A {offsets = [0, 111], sizes = [1, 128], strides = [1, 1]} : vector<1x384xf32> to vector<1x128xf32>
    %slice3A_333 = vector.extract_strided_slice %concatenate3A {offsets = [0, 142], sizes = [1, 128], strides = [1, 1]} : vector<1x384xf32> to vector<1x128xf32>
    %sub3A_334 = arith.subf %slice3A, %slice3A_332 : vector<1x128xf32>
    %sub3A_335 = arith.subf %slice3A_333, %slice3A : vector<1x128xf32>
    %max3A_336 = arith.maximumf %sub3A_334, %sub3A_335 : vector<1x128xf32>
    %sub3A_337 = arith.constant 17 : i32
    %sub3A_338 = vector.broadcast %sub3A_337 : i32 to vector<1x128xi32>
    %sub3A_339 = arith.subi %add3A_15, %sub3A_338 : vector<1x128xi32>
    %ge3A_340 = arith.constant 0 : i32
    %ge3A_341 = vector.broadcast %ge3A_340 : i32 to vector<1x128xi32>
    %ge3A_342 = arith.cmpi sge, %sub3A_339, %ge3A_341 : vector<1x128xi32>
    %le3A_343 = arith.constant 2016 : i32
    %le3A_344 = vector.broadcast %le3A_343 : i32 to vector<1x128xi32>
    %le3A_345 = arith.cmpi sle, %sub3A_339, %le3A_344 : vector<1x128xi32>
    %and3A_346 = arith.andi %ge3A_342, %le3A_345 : vector<1x128xi1>
    %jit3A_347 = arith.constant 0x7F800000 : f32
    %broadcast_in_dim3A_348 = vector.broadcast %jit3A_347 : f32 to vector<1x128xf32>
    %select_n3A_349 = arith.select %and3A_346, %max3A_336, %broadcast_in_dim3A_348 : vector<1x128xi1>, vector<1x128xf32>
    %min3A_350 = arith.minimumf %min3A_331, %select_n3A_349 : vector<1x128xf32>
    %slice3A_351 = vector.extract_strided_slice %concatenate3A {offsets = [0, 110], sizes = [1, 128], strides = [1, 1]} : vector<1x384xf32> to vector<1x128xf32>
    %slice3A_352 = vector.extract_strided_slice %concatenate3A {offsets = [0, 141], sizes = [1, 128], strides = [1, 1]} : vector<1x384xf32> to vector<1x128xf32>
    %sub3A_353 = arith.subf %slice3A, %slice3A_351 : vector<1x128xf32>
    %sub3A_354 = arith.subf %slice3A_352, %slice3A : vector<1x128xf32>
    %max3A_355 = arith.maximumf %sub3A_353, %sub3A_354 : vector<1x128xf32>
    %sub3A_356 = arith.constant 18 : i32
    %sub3A_357 = vector.broadcast %sub3A_356 : i32 to vector<1x128xi32>
    %sub3A_358 = arith.subi %add3A_15, %sub3A_357 : vector<1x128xi32>
    %ge3A_359 = arith.constant 0 : i32
    %ge3A_360 = vector.broadcast %ge3A_359 : i32 to vector<1x128xi32>
    %ge3A_361 = arith.cmpi sge, %sub3A_358, %ge3A_360 : vector<1x128xi32>
    %le3A_362 = arith.constant 2016 : i32
    %le3A_363 = vector.broadcast %le3A_362 : i32 to vector<1x128xi32>
    %le3A_364 = arith.cmpi sle, %sub3A_358, %le3A_363 : vector<1x128xi32>
    %and3A_365 = arith.andi %ge3A_361, %le3A_364 : vector<1x128xi1>
    %jit3A_366 = arith.constant 0x7F800000 : f32
    %broadcast_in_dim3A_367 = vector.broadcast %jit3A_366 : f32 to vector<1x128xf32>
    %select_n3A_368 = arith.select %and3A_365, %max3A_355, %broadcast_in_dim3A_367 : vector<1x128xi1>, vector<1x128xf32>
    %min3A_369 = arith.minimumf %min3A_350, %select_n3A_368 : vector<1x128xf32>
    %slice3A_370 = vector.extract_strided_slice %concatenate3A {offsets = [0, 109], sizes = [1, 128], strides = [1, 1]} : vector<1x384xf32> to vector<1x128xf32>
    %slice3A_371 = vector.extract_strided_slice %concatenate3A {offsets = [0, 140], sizes = [1, 128], strides = [1, 1]} : vector<1x384xf32> to vector<1x128xf32>
    %sub3A_372 = arith.subf %slice3A, %slice3A_370 : vector<1x128xf32>
    %sub3A_373 = arith.subf %slice3A_371, %slice3A : vector<1x128xf32>
    %max3A_374 = arith.maximumf %sub3A_372, %sub3A_373 : vector<1x128xf32>
    %sub3A_375 = arith.constant 19 : i32
    %sub3A_376 = vector.broadcast %sub3A_375 : i32 to vector<1x128xi32>
    %sub3A_377 = arith.subi %add3A_15, %sub3A_376 : vector<1x128xi32>
    %ge3A_378 = arith.constant 0 : i32
    %ge3A_379 = vector.broadcast %ge3A_378 : i32 to vector<1x128xi32>
    %ge3A_380 = arith.cmpi sge, %sub3A_377, %ge3A_379 : vector<1x128xi32>
    %le3A_381 = arith.constant 2016 : i32
    %le3A_382 = vector.broadcast %le3A_381 : i32 to vector<1x128xi32>
    %le3A_383 = arith.cmpi sle, %sub3A_377, %le3A_382 : vector<1x128xi32>
    %and3A_384 = arith.andi %ge3A_380, %le3A_383 : vector<1x128xi1>
    %jit3A_385 = arith.constant 0x7F800000 : f32
    %broadcast_in_dim3A_386 = vector.broadcast %jit3A_385 : f32 to vector<1x128xf32>
    %select_n3A_387 = arith.select %and3A_384, %max3A_374, %broadcast_in_dim3A_386 : vector<1x128xi1>, vector<1x128xf32>
    %min3A_388 = arith.minimumf %min3A_369, %select_n3A_387 : vector<1x128xf32>
    %slice3A_389 = vector.extract_strided_slice %concatenate3A {offsets = [0, 108], sizes = [1, 128], strides = [1, 1]} : vector<1x384xf32> to vector<1x128xf32>
    %slice3A_390 = vector.extract_strided_slice %concatenate3A {offsets = [0, 139], sizes = [1, 128], strides = [1, 1]} : vector<1x384xf32> to vector<1x128xf32>
    %sub3A_391 = arith.subf %slice3A, %slice3A_389 : vector<1x128xf32>
    %sub3A_392 = arith.subf %slice3A_390, %slice3A : vector<1x128xf32>
    %max3A_393 = arith.maximumf %sub3A_391, %sub3A_392 : vector<1x128xf32>
    %sub3A_394 = arith.constant 20 : i32
    %sub3A_395 = vector.broadcast %sub3A_394 : i32 to vector<1x128xi32>
    %sub3A_396 = arith.subi %add3A_15, %sub3A_395 : vector<1x128xi32>
    %ge3A_397 = arith.constant 0 : i32
    %ge3A_398 = vector.broadcast %ge3A_397 : i32 to vector<1x128xi32>
    %ge3A_399 = arith.cmpi sge, %sub3A_396, %ge3A_398 : vector<1x128xi32>
    %le3A_400 = arith.constant 2016 : i32
    %le3A_401 = vector.broadcast %le3A_400 : i32 to vector<1x128xi32>
    %le3A_402 = arith.cmpi sle, %sub3A_396, %le3A_401 : vector<1x128xi32>
    %and3A_403 = arith.andi %ge3A_399, %le3A_402 : vector<1x128xi1>
    %jit3A_404 = arith.constant 0x7F800000 : f32
    %broadcast_in_dim3A_405 = vector.broadcast %jit3A_404 : f32 to vector<1x128xf32>
    %select_n3A_406 = arith.select %and3A_403, %max3A_393, %broadcast_in_dim3A_405 : vector<1x128xi1>, vector<1x128xf32>
    %min3A_407 = arith.minimumf %min3A_388, %select_n3A_406 : vector<1x128xf32>
    %slice3A_408 = vector.extract_strided_slice %concatenate3A {offsets = [0, 107], sizes = [1, 128], strides = [1, 1]} : vector<1x384xf32> to vector<1x128xf32>
    %slice3A_409 = vector.extract_strided_slice %concatenate3A {offsets = [0, 138], sizes = [1, 128], strides = [1, 1]} : vector<1x384xf32> to vector<1x128xf32>
    %sub3A_410 = arith.subf %slice3A, %slice3A_408 : vector<1x128xf32>
    %sub3A_411 = arith.subf %slice3A_409, %slice3A : vector<1x128xf32>
    %max3A_412 = arith.maximumf %sub3A_410, %sub3A_411 : vector<1x128xf32>
    %sub3A_413 = arith.constant 21 : i32
    %sub3A_414 = vector.broadcast %sub3A_413 : i32 to vector<1x128xi32>
    %sub3A_415 = arith.subi %add3A_15, %sub3A_414 : vector<1x128xi32>
    %ge3A_416 = arith.constant 0 : i32
    %ge3A_417 = vector.broadcast %ge3A_416 : i32 to vector<1x128xi32>
    %ge3A_418 = arith.cmpi sge, %sub3A_415, %ge3A_417 : vector<1x128xi32>
    %le3A_419 = arith.constant 2016 : i32
    %le3A_420 = vector.broadcast %le3A_419 : i32 to vector<1x128xi32>
    %le3A_421 = arith.cmpi sle, %sub3A_415, %le3A_420 : vector<1x128xi32>
    %and3A_422 = arith.andi %ge3A_418, %le3A_421 : vector<1x128xi1>
    %jit3A_423 = arith.constant 0x7F800000 : f32
    %broadcast_in_dim3A_424 = vector.broadcast %jit3A_423 : f32 to vector<1x128xf32>
    %select_n3A_425 = arith.select %and3A_422, %max3A_412, %broadcast_in_dim3A_424 : vector<1x128xi1>, vector<1x128xf32>
    %min3A_426 = arith.minimumf %min3A_407, %select_n3A_425 : vector<1x128xf32>
    %slice3A_427 = vector.extract_strided_slice %concatenate3A {offsets = [0, 106], sizes = [1, 128], strides = [1, 1]} : vector<1x384xf32> to vector<1x128xf32>
    %slice3A_428 = vector.extract_strided_slice %concatenate3A {offsets = [0, 137], sizes = [1, 128], strides = [1, 1]} : vector<1x384xf32> to vector<1x128xf32>
    %sub3A_429 = arith.subf %slice3A, %slice3A_427 : vector<1x128xf32>
    %sub3A_430 = arith.subf %slice3A_428, %slice3A : vector<1x128xf32>
    %max3A_431 = arith.maximumf %sub3A_429, %sub3A_430 : vector<1x128xf32>
    %sub3A_432 = arith.constant 22 : i32
    %sub3A_433 = vector.broadcast %sub3A_432 : i32 to vector<1x128xi32>
    %sub3A_434 = arith.subi %add3A_15, %sub3A_433 : vector<1x128xi32>
    %ge3A_435 = arith.constant 0 : i32
    %ge3A_436 = vector.broadcast %ge3A_435 : i32 to vector<1x128xi32>
    %ge3A_437 = arith.cmpi sge, %sub3A_434, %ge3A_436 : vector<1x128xi32>
    %le3A_438 = arith.constant 2016 : i32
    %le3A_439 = vector.broadcast %le3A_438 : i32 to vector<1x128xi32>
    %le3A_440 = arith.cmpi sle, %sub3A_434, %le3A_439 : vector<1x128xi32>
    %and3A_441 = arith.andi %ge3A_437, %le3A_440 : vector<1x128xi1>
    %jit3A_442 = arith.constant 0x7F800000 : f32
    %broadcast_in_dim3A_443 = vector.broadcast %jit3A_442 : f32 to vector<1x128xf32>
    %select_n3A_444 = arith.select %and3A_441, %max3A_431, %broadcast_in_dim3A_443 : vector<1x128xi1>, vector<1x128xf32>
    %min3A_445 = arith.minimumf %min3A_426, %select_n3A_444 : vector<1x128xf32>
    %slice3A_446 = vector.extract_strided_slice %concatenate3A {offsets = [0, 105], sizes = [1, 128], strides = [1, 1]} : vector<1x384xf32> to vector<1x128xf32>
    %slice3A_447 = vector.extract_strided_slice %concatenate3A {offsets = [0, 136], sizes = [1, 128], strides = [1, 1]} : vector<1x384xf32> to vector<1x128xf32>
    %sub3A_448 = arith.subf %slice3A, %slice3A_446 : vector<1x128xf32>
    %sub3A_449 = arith.subf %slice3A_447, %slice3A : vector<1x128xf32>
    %max3A_450 = arith.maximumf %sub3A_448, %sub3A_449 : vector<1x128xf32>
    %sub3A_451 = arith.constant 23 : i32
    %sub3A_452 = vector.broadcast %sub3A_451 : i32 to vector<1x128xi32>
    %sub3A_453 = arith.subi %add3A_15, %sub3A_452 : vector<1x128xi32>
    %ge3A_454 = arith.constant 0 : i32
    %ge3A_455 = vector.broadcast %ge3A_454 : i32 to vector<1x128xi32>
    %ge3A_456 = arith.cmpi sge, %sub3A_453, %ge3A_455 : vector<1x128xi32>
    %le3A_457 = arith.constant 2016 : i32
    %le3A_458 = vector.broadcast %le3A_457 : i32 to vector<1x128xi32>
    %le3A_459 = arith.cmpi sle, %sub3A_453, %le3A_458 : vector<1x128xi32>
    %and3A_460 = arith.andi %ge3A_456, %le3A_459 : vector<1x128xi1>
    %jit3A_461 = arith.constant 0x7F800000 : f32
    %broadcast_in_dim3A_462 = vector.broadcast %jit3A_461 : f32 to vector<1x128xf32>
    %select_n3A_463 = arith.select %and3A_460, %max3A_450, %broadcast_in_dim3A_462 : vector<1x128xi1>, vector<1x128xf32>
    %min3A_464 = arith.minimumf %min3A_445, %select_n3A_463 : vector<1x128xf32>
    %slice3A_465 = vector.extract_strided_slice %concatenate3A {offsets = [0, 104], sizes = [1, 128], strides = [1, 1]} : vector<1x384xf32> to vector<1x128xf32>
    %slice3A_466 = vector.extract_strided_slice %concatenate3A {offsets = [0, 135], sizes = [1, 128], strides = [1, 1]} : vector<1x384xf32> to vector<1x128xf32>
    %sub3A_467 = arith.subf %slice3A, %slice3A_465 : vector<1x128xf32>
    %sub3A_468 = arith.subf %slice3A_466, %slice3A : vector<1x128xf32>
    %max3A_469 = arith.maximumf %sub3A_467, %sub3A_468 : vector<1x128xf32>
    %sub3A_470 = arith.constant 24 : i32
    %sub3A_471 = vector.broadcast %sub3A_470 : i32 to vector<1x128xi32>
    %sub3A_472 = arith.subi %add3A_15, %sub3A_471 : vector<1x128xi32>
    %ge3A_473 = arith.constant 0 : i32
    %ge3A_474 = vector.broadcast %ge3A_473 : i32 to vector<1x128xi32>
    %ge3A_475 = arith.cmpi sge, %sub3A_472, %ge3A_474 : vector<1x128xi32>
    %le3A_476 = arith.constant 2016 : i32
    %le3A_477 = vector.broadcast %le3A_476 : i32 to vector<1x128xi32>
    %le3A_478 = arith.cmpi sle, %sub3A_472, %le3A_477 : vector<1x128xi32>
    %and3A_479 = arith.andi %ge3A_475, %le3A_478 : vector<1x128xi1>
    %jit3A_480 = arith.constant 0x7F800000 : f32
    %broadcast_in_dim3A_481 = vector.broadcast %jit3A_480 : f32 to vector<1x128xf32>
    %select_n3A_482 = arith.select %and3A_479, %max3A_469, %broadcast_in_dim3A_481 : vector<1x128xi1>, vector<1x128xf32>
    %min3A_483 = arith.minimumf %min3A_464, %select_n3A_482 : vector<1x128xf32>
    %slice3A_484 = vector.extract_strided_slice %concatenate3A {offsets = [0, 103], sizes = [1, 128], strides = [1, 1]} : vector<1x384xf32> to vector<1x128xf32>
    %slice3A_485 = vector.extract_strided_slice %concatenate3A {offsets = [0, 134], sizes = [1, 128], strides = [1, 1]} : vector<1x384xf32> to vector<1x128xf32>
    %sub3A_486 = arith.subf %slice3A, %slice3A_484 : vector<1x128xf32>
    %sub3A_487 = arith.subf %slice3A_485, %slice3A : vector<1x128xf32>
    %max3A_488 = arith.maximumf %sub3A_486, %sub3A_487 : vector<1x128xf32>
    %sub3A_489 = arith.constant 25 : i32
    %sub3A_490 = vector.broadcast %sub3A_489 : i32 to vector<1x128xi32>
    %sub3A_491 = arith.subi %add3A_15, %sub3A_490 : vector<1x128xi32>
    %ge3A_492 = arith.constant 0 : i32
    %ge3A_493 = vector.broadcast %ge3A_492 : i32 to vector<1x128xi32>
    %ge3A_494 = arith.cmpi sge, %sub3A_491, %ge3A_493 : vector<1x128xi32>
    %le3A_495 = arith.constant 2016 : i32
    %le3A_496 = vector.broadcast %le3A_495 : i32 to vector<1x128xi32>
    %le3A_497 = arith.cmpi sle, %sub3A_491, %le3A_496 : vector<1x128xi32>
    %and3A_498 = arith.andi %ge3A_494, %le3A_497 : vector<1x128xi1>
    %jit3A_499 = arith.constant 0x7F800000 : f32
    %broadcast_in_dim3A_500 = vector.broadcast %jit3A_499 : f32 to vector<1x128xf32>
    %select_n3A_501 = arith.select %and3A_498, %max3A_488, %broadcast_in_dim3A_500 : vector<1x128xi1>, vector<1x128xf32>
    %min3A_502 = arith.minimumf %min3A_483, %select_n3A_501 : vector<1x128xf32>
    %slice3A_503 = vector.extract_strided_slice %concatenate3A {offsets = [0, 102], sizes = [1, 128], strides = [1, 1]} : vector<1x384xf32> to vector<1x128xf32>
    %slice3A_504 = vector.extract_strided_slice %concatenate3A {offsets = [0, 133], sizes = [1, 128], strides = [1, 1]} : vector<1x384xf32> to vector<1x128xf32>
    %sub3A_505 = arith.subf %slice3A, %slice3A_503 : vector<1x128xf32>
    %sub3A_506 = arith.subf %slice3A_504, %slice3A : vector<1x128xf32>
    %max3A_507 = arith.maximumf %sub3A_505, %sub3A_506 : vector<1x128xf32>
    %sub3A_508 = arith.constant 26 : i32
    %sub3A_509 = vector.broadcast %sub3A_508 : i32 to vector<1x128xi32>
    %sub3A_510 = arith.subi %add3A_15, %sub3A_509 : vector<1x128xi32>
    %ge3A_511 = arith.constant 0 : i32
    %ge3A_512 = vector.broadcast %ge3A_511 : i32 to vector<1x128xi32>
    %ge3A_513 = arith.cmpi sge, %sub3A_510, %ge3A_512 : vector<1x128xi32>
    %le3A_514 = arith.constant 2016 : i32
    %le3A_515 = vector.broadcast %le3A_514 : i32 to vector<1x128xi32>
    %le3A_516 = arith.cmpi sle, %sub3A_510, %le3A_515 : vector<1x128xi32>
    %and3A_517 = arith.andi %ge3A_513, %le3A_516 : vector<1x128xi1>
    %jit3A_518 = arith.constant 0x7F800000 : f32
    %broadcast_in_dim3A_519 = vector.broadcast %jit3A_518 : f32 to vector<1x128xf32>
    %select_n3A_520 = arith.select %and3A_517, %max3A_507, %broadcast_in_dim3A_519 : vector<1x128xi1>, vector<1x128xf32>
    %min3A_521 = arith.minimumf %min3A_502, %select_n3A_520 : vector<1x128xf32>
    %slice3A_522 = vector.extract_strided_slice %concatenate3A {offsets = [0, 101], sizes = [1, 128], strides = [1, 1]} : vector<1x384xf32> to vector<1x128xf32>
    %slice3A_523 = vector.extract_strided_slice %concatenate3A {offsets = [0, 132], sizes = [1, 128], strides = [1, 1]} : vector<1x384xf32> to vector<1x128xf32>
    %sub3A_524 = arith.subf %slice3A, %slice3A_522 : vector<1x128xf32>
    %sub3A_525 = arith.subf %slice3A_523, %slice3A : vector<1x128xf32>
    %max3A_526 = arith.maximumf %sub3A_524, %sub3A_525 : vector<1x128xf32>
    %sub3A_527 = arith.constant 27 : i32
    %sub3A_528 = vector.broadcast %sub3A_527 : i32 to vector<1x128xi32>
    %sub3A_529 = arith.subi %add3A_15, %sub3A_528 : vector<1x128xi32>
    %ge3A_530 = arith.constant 0 : i32
    %ge3A_531 = vector.broadcast %ge3A_530 : i32 to vector<1x128xi32>
    %ge3A_532 = arith.cmpi sge, %sub3A_529, %ge3A_531 : vector<1x128xi32>
    %le3A_533 = arith.constant 2016 : i32
    %le3A_534 = vector.broadcast %le3A_533 : i32 to vector<1x128xi32>
    %le3A_535 = arith.cmpi sle, %sub3A_529, %le3A_534 : vector<1x128xi32>
    %and3A_536 = arith.andi %ge3A_532, %le3A_535 : vector<1x128xi1>
    %jit3A_537 = arith.constant 0x7F800000 : f32
    %broadcast_in_dim3A_538 = vector.broadcast %jit3A_537 : f32 to vector<1x128xf32>
    %select_n3A_539 = arith.select %and3A_536, %max3A_526, %broadcast_in_dim3A_538 : vector<1x128xi1>, vector<1x128xf32>
    %min3A_540 = arith.minimumf %min3A_521, %select_n3A_539 : vector<1x128xf32>
    %slice3A_541 = vector.extract_strided_slice %concatenate3A {offsets = [0, 100], sizes = [1, 128], strides = [1, 1]} : vector<1x384xf32> to vector<1x128xf32>
    %slice3A_542 = vector.extract_strided_slice %concatenate3A {offsets = [0, 131], sizes = [1, 128], strides = [1, 1]} : vector<1x384xf32> to vector<1x128xf32>
    %sub3A_543 = arith.subf %slice3A, %slice3A_541 : vector<1x128xf32>
    %sub3A_544 = arith.subf %slice3A_542, %slice3A : vector<1x128xf32>
    %max3A_545 = arith.maximumf %sub3A_543, %sub3A_544 : vector<1x128xf32>
    %sub3A_546 = arith.constant 28 : i32
    %sub3A_547 = vector.broadcast %sub3A_546 : i32 to vector<1x128xi32>
    %sub3A_548 = arith.subi %add3A_15, %sub3A_547 : vector<1x128xi32>
    %ge3A_549 = arith.constant 0 : i32
    %ge3A_550 = vector.broadcast %ge3A_549 : i32 to vector<1x128xi32>
    %ge3A_551 = arith.cmpi sge, %sub3A_548, %ge3A_550 : vector<1x128xi32>
    %le3A_552 = arith.constant 2016 : i32
    %le3A_553 = vector.broadcast %le3A_552 : i32 to vector<1x128xi32>
    %le3A_554 = arith.cmpi sle, %sub3A_548, %le3A_553 : vector<1x128xi32>
    %and3A_555 = arith.andi %ge3A_551, %le3A_554 : vector<1x128xi1>
    %jit3A_556 = arith.constant 0x7F800000 : f32
    %broadcast_in_dim3A_557 = vector.broadcast %jit3A_556 : f32 to vector<1x128xf32>
    %select_n3A_558 = arith.select %and3A_555, %max3A_545, %broadcast_in_dim3A_557 : vector<1x128xi1>, vector<1x128xf32>
    %min3A_559 = arith.minimumf %min3A_540, %select_n3A_558 : vector<1x128xf32>
    %slice3A_560 = vector.extract_strided_slice %concatenate3A {offsets = [0, 99], sizes = [1, 128], strides = [1, 1]} : vector<1x384xf32> to vector<1x128xf32>
    %slice3A_561 = vector.extract_strided_slice %concatenate3A {offsets = [0, 130], sizes = [1, 128], strides = [1, 1]} : vector<1x384xf32> to vector<1x128xf32>
    %sub3A_562 = arith.subf %slice3A, %slice3A_560 : vector<1x128xf32>
    %sub3A_563 = arith.subf %slice3A_561, %slice3A : vector<1x128xf32>
    %max3A_564 = arith.maximumf %sub3A_562, %sub3A_563 : vector<1x128xf32>
    %sub3A_565 = arith.constant 29 : i32
    %sub3A_566 = vector.broadcast %sub3A_565 : i32 to vector<1x128xi32>
    %sub3A_567 = arith.subi %add3A_15, %sub3A_566 : vector<1x128xi32>
    %ge3A_568 = arith.constant 0 : i32
    %ge3A_569 = vector.broadcast %ge3A_568 : i32 to vector<1x128xi32>
    %ge3A_570 = arith.cmpi sge, %sub3A_567, %ge3A_569 : vector<1x128xi32>
    %le3A_571 = arith.constant 2016 : i32
    %le3A_572 = vector.broadcast %le3A_571 : i32 to vector<1x128xi32>
    %le3A_573 = arith.cmpi sle, %sub3A_567, %le3A_572 : vector<1x128xi32>
    %and3A_574 = arith.andi %ge3A_570, %le3A_573 : vector<1x128xi1>
    %jit3A_575 = arith.constant 0x7F800000 : f32
    %broadcast_in_dim3A_576 = vector.broadcast %jit3A_575 : f32 to vector<1x128xf32>
    %select_n3A_577 = arith.select %and3A_574, %max3A_564, %broadcast_in_dim3A_576 : vector<1x128xi1>, vector<1x128xf32>
    %min3A_578 = arith.minimumf %min3A_559, %select_n3A_577 : vector<1x128xf32>
    %slice3A_579 = vector.extract_strided_slice %concatenate3A {offsets = [0, 98], sizes = [1, 128], strides = [1, 1]} : vector<1x384xf32> to vector<1x128xf32>
    %slice3A_580 = vector.extract_strided_slice %concatenate3A {offsets = [0, 129], sizes = [1, 128], strides = [1, 1]} : vector<1x384xf32> to vector<1x128xf32>
    %sub3A_581 = arith.subf %slice3A, %slice3A_579 : vector<1x128xf32>
    %sub3A_582 = arith.subf %slice3A_580, %slice3A : vector<1x128xf32>
    %max3A_583 = arith.maximumf %sub3A_581, %sub3A_582 : vector<1x128xf32>
    %sub3A_584 = arith.constant 30 : i32
    %sub3A_585 = vector.broadcast %sub3A_584 : i32 to vector<1x128xi32>
    %sub3A_586 = arith.subi %add3A_15, %sub3A_585 : vector<1x128xi32>
    %ge3A_587 = arith.constant 0 : i32
    %ge3A_588 = vector.broadcast %ge3A_587 : i32 to vector<1x128xi32>
    %ge3A_589 = arith.cmpi sge, %sub3A_586, %ge3A_588 : vector<1x128xi32>
    %le3A_590 = arith.constant 2016 : i32
    %le3A_591 = vector.broadcast %le3A_590 : i32 to vector<1x128xi32>
    %le3A_592 = arith.cmpi sle, %sub3A_586, %le3A_591 : vector<1x128xi32>
    %and3A_593 = arith.andi %ge3A_589, %le3A_592 : vector<1x128xi1>
    %jit3A_594 = arith.constant 0x7F800000 : f32
    %broadcast_in_dim3A_595 = vector.broadcast %jit3A_594 : f32 to vector<1x128xf32>
    %select_n3A_596 = arith.select %and3A_593, %max3A_583, %broadcast_in_dim3A_595 : vector<1x128xi1>, vector<1x128xf32>
    %min3A_597 = arith.minimumf %min3A_578, %select_n3A_596 : vector<1x128xf32>
    %slice3A_598 = vector.extract_strided_slice %concatenate3A {offsets = [0, 97], sizes = [1, 128], strides = [1, 1]} : vector<1x384xf32> to vector<1x128xf32>
    %slice3A_599 = vector.extract_strided_slice %concatenate3A {offsets = [0, 128], sizes = [1, 128], strides = [1, 1]} : vector<1x384xf32> to vector<1x128xf32>
    %sub3A_600 = arith.subf %slice3A, %slice3A_598 : vector<1x128xf32>
    %sub3A_601 = arith.subf %slice3A_599, %slice3A : vector<1x128xf32>
    %max3A_602 = arith.maximumf %sub3A_600, %sub3A_601 : vector<1x128xf32>
    %sub3A_603 = arith.constant 31 : i32
    %sub3A_604 = vector.broadcast %sub3A_603 : i32 to vector<1x128xi32>
    %sub3A_605 = arith.subi %add3A_15, %sub3A_604 : vector<1x128xi32>
    %ge3A_606 = arith.constant 0 : i32
    %ge3A_607 = vector.broadcast %ge3A_606 : i32 to vector<1x128xi32>
    %ge3A_608 = arith.cmpi sge, %sub3A_605, %ge3A_607 : vector<1x128xi32>
    %le3A_609 = arith.constant 2016 : i32
    %le3A_610 = vector.broadcast %le3A_609 : i32 to vector<1x128xi32>
    %le3A_611 = arith.cmpi sle, %sub3A_605, %le3A_610 : vector<1x128xi32>
    %and3A_612 = arith.andi %ge3A_608, %le3A_611 : vector<1x128xi1>
    %jit3A_613 = arith.constant 0x7F800000 : f32
    %broadcast_in_dim3A_614 = vector.broadcast %jit3A_613 : f32 to vector<1x128xf32>
    %select_n3A_615 = arith.select %and3A_612, %max3A_602, %broadcast_in_dim3A_614 : vector<1x128xi1>, vector<1x128xf32>
    %min3A_616 = arith.minimumf %min3A_597, %select_n3A_615 : vector<1x128xf32>
    %get3A_617 = arith.constant 0 : index
    %get3A_618 = arith.constant 0 : index
    %get3A_619 = vector.load %arg13[%get3A_617, %get3A_618] : memref<64x1024xf32, #tpu.memory_space<vmem>>, vector<64x1024xf32>
    %get3A_620 = arith.constant 0 : index
    %get3A_621 = arith.constant 0 : index
    %get3A_622 = vector.load %arg14[%get3A_620, %get3A_621] : memref<64x1024xf32, #tpu.memory_space<vmem>>, vector<64x1024xf32>
    %get3A_623 = arith.constant 0 : index
    %get3A_624 = arith.constant 0 : index
    %get3A_625 = vector.load %arg15[%get3A_623, %get3A_624] : memref<64x1024xf32, #tpu.memory_space<vmem>>, vector<64x1024xf32>
    %get3A_626 = arith.constant 0 : index
    %get3A_627 = arith.constant 0 : index
    %get3A_628 = vector.load %arg16[%get3A_626, %get3A_627] : memref<64x1024xf32, #tpu.memory_space<vmem>>, vector<64x1024xf32>
    %concatenate3A_629 = tpu.concatenate %get3A_619, %get3A_622, %get3A_625, %get3A_628 in 0 : vector<64x1024xf32>, vector<64x1024xf32>, vector<64x1024xf32>, vector<64x1024xf32> -> vector<256x1024xf32>
    %get3A_630 = arith.constant 0 : index
    %get3A_631 = arith.constant 0 : index
    %get3A_632 = vector.load %arg17[%get3A_630, %get3A_631] : memref<64x1024xf32, #tpu.memory_space<vmem>>, vector<64x1024xf32>
    %get3A_633 = arith.constant 0 : index
    %get3A_634 = arith.constant 0 : index
    %get3A_635 = vector.load %arg18[%get3A_633, %get3A_634] : memref<64x1024xf32, #tpu.memory_space<vmem>>, vector<64x1024xf32>
    %get3A_636 = arith.constant 0 : index
    %get3A_637 = arith.constant 0 : index
    %get3A_638 = vector.load %arg19[%get3A_636, %get3A_637] : memref<64x1024xf32, #tpu.memory_space<vmem>>, vector<64x1024xf32>
    %get3A_639 = arith.constant 0 : index
    %get3A_640 = arith.constant 0 : index
    %get3A_641 = vector.load %arg20[%get3A_639, %get3A_640] : memref<64x1024xf32, #tpu.memory_space<vmem>>, vector<64x1024xf32>
    %concatenate3A_642 = tpu.concatenate %get3A_632, %get3A_635, %get3A_638, %get3A_641 in 0 : vector<64x1024xf32>, vector<64x1024xf32>, vector<64x1024xf32>, vector<64x1024xf32> -> vector<256x1024xf32>
    %get3A_643 = arith.constant 0 : index
    %get3A_644 = arith.constant 0 : index
    %get3A_645 = vector.load %arg4[%get3A_643, %get3A_644] : memref<64x1xf32, #tpu.memory_space<vmem>>, vector<64x1xf32>
    %get3A_646 = arith.constant 0 : index
    %get3A_647 = arith.constant 0 : index
    %get3A_648 = vector.load %arg5[%get3A_646, %get3A_647] : memref<64x1xf32, #tpu.memory_space<vmem>>, vector<64x1xf32>
    %get3A_649 = arith.constant 0 : index
    %get3A_650 = arith.constant 0 : index
    %get3A_651 = vector.load %arg6[%get3A_649, %get3A_650] : memref<64x1xf32, #tpu.memory_space<vmem>>, vector<64x1xf32>
    %get3A_652 = arith.constant 0 : index
    %get3A_653 = arith.constant 0 : index
    %get3A_654 = vector.load %arg7[%get3A_652, %get3A_653] : memref<64x1xf32, #tpu.memory_space<vmem>>, vector<64x1xf32>
    %concatenate3A_655 = tpu.concatenate %get3A_645, %get3A_648, %get3A_651, %get3A_654 in 0 : vector<64x1xf32>, vector<64x1xf32>, vector<64x1xf32>, vector<64x1xf32> -> vector<256x1xf32>
    %mul3A_656 = arith.constant 2 : i32
    %mul3A_657 = arith.muli %mul3A_656, %arg0 : i32
    %sub3A_658 = arith.constant 1 : i32
    %sub3A_659 = arith.subi %mul3A_657, %sub3A_658 : i32
    %mul3A_660 = arith.constant 64 : i32
    %mul3A_661 = arith.muli %sub3A_659, %mul3A_660 : i32
    %iota3A_662 = tpu.iota {dimensions = array<i32: 0>} : vector<256x1xi32>
    %add3A_663 = vector.broadcast %mul3A_661 : i32 to vector<256x1xi32>
    %add3A_664 = arith.addi %add3A_663, %iota3A_662 : vector<256x1xi32>
    %ge3A_665 = arith.constant 0 : i32
    %ge3A_666 = vector.broadcast %ge3A_665 : i32 to vector<256x1xi32>
    %ge3A_667 = arith.cmpi sge, %add3A_664, %ge3A_666 : vector<256x1xi32>
    %lt3A = arith.constant 2048 : i32
    %lt3A_668 = vector.broadcast %lt3A : i32 to vector<256x1xi32>
    %lt3A_669 = arith.cmpi slt, %add3A_664, %lt3A_668 : vector<256x1xi32>
    %and3A_670 = arith.andi %ge3A_667, %lt3A_669 : vector<256x1xi1>
    %get3A_671 = arith.constant 0 : index
    %get3A_672 = arith.constant 0 : index
    %get3A_673 = vector.load %arg8[%get3A_671, %get3A_672] : memref<64x1xi32, #tpu.memory_space<vmem>>, vector<64x1xi32>
    %get3A_674 = arith.constant 0 : index
    %get3A_675 = arith.constant 0 : index
    %get3A_676 = vector.load %arg9[%get3A_674, %get3A_675] : memref<64x1xi32, #tpu.memory_space<vmem>>, vector<64x1xi32>
    %get3A_677 = arith.constant 0 : index
    %get3A_678 = arith.constant 0 : index
    %get3A_679 = vector.load %arg10[%get3A_677, %get3A_678] : memref<64x1xi32, #tpu.memory_space<vmem>>, vector<64x1xi32>
    %get3A_680 = arith.constant 0 : index
    %get3A_681 = arith.constant 0 : index
    %get3A_682 = vector.load %arg11[%get3A_680, %get3A_681] : memref<64x1xi32, #tpu.memory_space<vmem>>, vector<64x1xi32>
    %concatenate3A_683 = tpu.concatenate %get3A_673, %get3A_676, %get3A_679, %get3A_682 in 0 : vector<64x1xi32>, vector<64x1xi32>, vector<64x1xi32>, vector<64x1xi32> -> vector<256x1xi32>
    %sub3A_684 = vector.broadcast %concatenate3A_655 : vector<256x1xf32> to vector<256x128xf32>
    %sub3A_685 = vector.broadcast %slice3A : vector<1x128xf32> to vector<256x128xf32>
    %sub3A_686 = arith.subf %sub3A_684, %sub3A_685 : vector<256x128xf32>
    %abs3A = math.absf %sub3A_686 : vector<256x128xf32>
    %lt3A_687 = vector.broadcast %min3A_616 : vector<1x128xf32> to vector<256x128xf32>
    %lt3A_688 = arith.cmpf olt, %abs3A, %lt3A_687 : vector<256x128xf32>
    %and3A_689 = vector.broadcast %and3A_670 : vector<256x1xi1> to vector<256x128xi1>
    %and3A_690 = arith.andi %lt3A_688, %and3A_689 : vector<256x128xi1>
    %eq3A = vector.broadcast %min3A_616 : vector<1x128xf32> to vector<256x128xf32>
    %eq3A_691 = arith.cmpf oeq, %abs3A, %eq3A : vector<256x128xf32>
    %and3A_692 = vector.broadcast %and3A_670 : vector<256x1xi1> to vector<256x128xi1>
    %and3A_693 = arith.andi %eq3A_691, %and3A_692 : vector<256x128xi1>
    %convert_element_type3A = arith.extui %and3A_690 : vector<256x128xi1> to vector<256x128xi32>
    %reduce_sum3A = arith.constant dense<0> : vector<128xi32>
    %reduce_sum3A_694 = vector.multi_reduction <add>, %convert_element_type3A, %reduce_sum3A [0] : vector<256x128xi32> to vector<128xi32>
    %broadcast_in_dim3A_695 = vector.shape_cast %reduce_sum3A_694 : vector<128xi32> to vector<1x128xi32>
    %sub3A_696 = arith.constant 32 : i32
    %sub3A_697 = vector.broadcast %sub3A_696 : i32 to vector<1x128xi32>
    %sub3A_698 = arith.subi %sub3A_697, %broadcast_in_dim3A_695 : vector<1x128xi32>
    %jit3A_699 = arith.constant 1073741824 : i32
    %broadcast_in_dim3A_700 = vector.shape_cast %concatenate3A_683 : vector<256x1xi32> to vector<256x1xi32>
    %broadcast_in_dim3A_701 = vector.broadcast %broadcast_in_dim3A_700 : vector<256x1xi32> to vector<256x128xi32>
    %broadcast_in_dim3A_702 = vector.broadcast %jit3A_699 : i32 to vector<256x128xi32>
    %select_n3A_703 = arith.select %and3A_693, %broadcast_in_dim3A_701, %broadcast_in_dim3A_702 : vector<256x128xi1>, vector<256x128xi32>
    %reduce_min3A = arith.constant dense<2147483647> : vector<128xi32>
    %reduce_min3A_704 = vector.multi_reduction <minsi>, %select_n3A_703, %reduce_min3A [0] : vector<256x128xi32> to vector<128xi32>
    %broadcast_in_dim3A_705 = vector.shape_cast %reduce_min3A_704 : vector<128xi32> to vector<1x128xi32>
    %eq3A_706 = vector.broadcast %concatenate3A_683 : vector<256x1xi32> to vector<256x128xi32>
    %eq3A_707 = vector.broadcast %broadcast_in_dim3A_705 : vector<1x128xi32> to vector<256x128xi32>
    %eq3A_708 = arith.cmpi eq, %eq3A_706, %eq3A_707 : vector<256x128xi32>
    %and3A_709 = arith.andi %and3A_693, %eq3A_708 : vector<256x128xi1>
    %gt3A = arith.constant 0 : i32
    %gt3A_710 = vector.broadcast %gt3A : i32 to vector<1x128xi32>
    %gt3A_711 = arith.cmpi sgt, %sub3A_698, %gt3A_710 : vector<1x128xi32>
    %and3A_712 = vector.broadcast %gt3A_711 : vector<1x128xi1> to vector<256x128xi1>
    %and3A_713 = arith.andi %and3A_709, %and3A_712 : vector<256x128xi1>
    %or3A = arith.ori %and3A_690, %and3A_713 : vector<256x128xi1>
    %not3A = arith.constant dense<true> : vector<256x128xi1>
    %not3A_714 = arith.xori %and3A_709, %not3A : vector<256x128xi1>
    %and3A_715 = arith.andi %and3A_693, %not3A_714 : vector<256x128xi1>
    %jit3A_716 = arith.constant 1073741824 : i32
    %broadcast_in_dim3A_717 = vector.shape_cast %concatenate3A_683 : vector<256x1xi32> to vector<256x1xi32>
    %broadcast_in_dim3A_718 = vector.broadcast %broadcast_in_dim3A_717 : vector<256x1xi32> to vector<256x128xi32>
    %broadcast_in_dim3A_719 = vector.broadcast %jit3A_716 : i32 to vector<256x128xi32>
    %select_n3A_720 = arith.select %and3A_715, %broadcast_in_dim3A_718, %broadcast_in_dim3A_719 : vector<256x128xi1>, vector<256x128xi32>
    %reduce_min3A_721 = arith.constant dense<2147483647> : vector<128xi32>
    %reduce_min3A_722 = vector.multi_reduction <minsi>, %select_n3A_720, %reduce_min3A_721 [0] : vector<256x128xi32> to vector<128xi32>
    %broadcast_in_dim3A_723 = vector.shape_cast %reduce_min3A_722 : vector<128xi32> to vector<1x128xi32>
    %eq3A_724 = vector.broadcast %concatenate3A_683 : vector<256x1xi32> to vector<256x128xi32>
    %eq3A_725 = vector.broadcast %broadcast_in_dim3A_723 : vector<1x128xi32> to vector<256x128xi32>
    %eq3A_726 = arith.cmpi eq, %eq3A_724, %eq3A_725 : vector<256x128xi32>
    %and3A_727 = arith.andi %and3A_715, %eq3A_726 : vector<256x128xi1>
    %gt3A_728 = arith.constant 1 : i32
    %gt3A_729 = vector.broadcast %gt3A_728 : i32 to vector<1x128xi32>
    %gt3A_730 = arith.cmpi sgt, %sub3A_698, %gt3A_729 : vector<1x128xi32>
    %and3A_731 = vector.broadcast %gt3A_730 : vector<1x128xi1> to vector<256x128xi1>
    %and3A_732 = arith.andi %and3A_727, %and3A_731 : vector<256x128xi1>
    %or3A_733 = arith.ori %or3A, %and3A_732 : vector<256x128xi1>
    %not3A_734 = arith.constant dense<true> : vector<256x128xi1>
    %not3A_735 = arith.xori %and3A_727, %not3A_734 : vector<256x128xi1>
    %and3A_736 = arith.andi %and3A_715, %not3A_735 : vector<256x128xi1>
    %jit3A_737 = arith.constant 1073741824 : i32
    %broadcast_in_dim3A_738 = vector.shape_cast %concatenate3A_683 : vector<256x1xi32> to vector<256x1xi32>
    %broadcast_in_dim3A_739 = vector.broadcast %broadcast_in_dim3A_738 : vector<256x1xi32> to vector<256x128xi32>
    %broadcast_in_dim3A_740 = vector.broadcast %jit3A_737 : i32 to vector<256x128xi32>
    %select_n3A_741 = arith.select %and3A_736, %broadcast_in_dim3A_739, %broadcast_in_dim3A_740 : vector<256x128xi1>, vector<256x128xi32>
    %reduce_min3A_742 = arith.constant dense<2147483647> : vector<128xi32>
    %reduce_min3A_743 = vector.multi_reduction <minsi>, %select_n3A_741, %reduce_min3A_742 [0] : vector<256x128xi32> to vector<128xi32>
    %broadcast_in_dim3A_744 = vector.shape_cast %reduce_min3A_743 : vector<128xi32> to vector<1x128xi32>
    %eq3A_745 = vector.broadcast %concatenate3A_683 : vector<256x1xi32> to vector<256x128xi32>
    %eq3A_746 = vector.broadcast %broadcast_in_dim3A_744 : vector<1x128xi32> to vector<256x128xi32>
    %eq3A_747 = arith.cmpi eq, %eq3A_745, %eq3A_746 : vector<256x128xi32>
    %and3A_748 = arith.andi %and3A_736, %eq3A_747 : vector<256x128xi1>
    %gt3A_749 = arith.constant 2 : i32
    %gt3A_750 = vector.broadcast %gt3A_749 : i32 to vector<1x128xi32>
    %gt3A_751 = arith.cmpi sgt, %sub3A_698, %gt3A_750 : vector<1x128xi32>
    %and3A_752 = vector.broadcast %gt3A_751 : vector<1x128xi1> to vector<256x128xi1>
    %and3A_753 = arith.andi %and3A_748, %and3A_752 : vector<256x128xi1>
    %or3A_754 = arith.ori %or3A_733, %and3A_753 : vector<256x128xi1>
    %not3A_755 = arith.constant dense<true> : vector<256x128xi1>
    %not3A_756 = arith.xori %and3A_748, %not3A_755 : vector<256x128xi1>
    %and3A_757 = arith.andi %and3A_736, %not3A_756 : vector<256x128xi1>
    %jit3A_758 = arith.constant 1073741824 : i32
    %broadcast_in_dim3A_759 = vector.shape_cast %concatenate3A_683 : vector<256x1xi32> to vector<256x1xi32>
    %broadcast_in_dim3A_760 = vector.broadcast %broadcast_in_dim3A_759 : vector<256x1xi32> to vector<256x128xi32>
    %broadcast_in_dim3A_761 = vector.broadcast %jit3A_758 : i32 to vector<256x128xi32>
    %select_n3A_762 = arith.select %and3A_757, %broadcast_in_dim3A_760, %broadcast_in_dim3A_761 : vector<256x128xi1>, vector<256x128xi32>
    %reduce_min3A_763 = arith.constant dense<2147483647> : vector<128xi32>
    %reduce_min3A_764 = vector.multi_reduction <minsi>, %select_n3A_762, %reduce_min3A_763 [0] : vector<256x128xi32> to vector<128xi32>
    %broadcast_in_dim3A_765 = vector.shape_cast %reduce_min3A_764 : vector<128xi32> to vector<1x128xi32>
    %eq3A_766 = vector.broadcast %concatenate3A_683 : vector<256x1xi32> to vector<256x128xi32>
    %eq3A_767 = vector.broadcast %broadcast_in_dim3A_765 : vector<1x128xi32> to vector<256x128xi32>
    %eq3A_768 = arith.cmpi eq, %eq3A_766, %eq3A_767 : vector<256x128xi32>
    %and3A_769 = arith.andi %and3A_757, %eq3A_768 : vector<256x128xi1>
    %gt3A_770 = arith.constant 3 : i32
    %gt3A_771 = vector.broadcast %gt3A_770 : i32 to vector<1x128xi32>
    %gt3A_772 = arith.cmpi sgt, %sub3A_698, %gt3A_771 : vector<1x128xi32>
    %and3A_773 = vector.broadcast %gt3A_772 : vector<1x128xi1> to vector<256x128xi1>
    %and3A_774 = arith.andi %and3A_769, %and3A_773 : vector<256x128xi1>
    %or3A_775 = arith.ori %or3A_754, %and3A_774 : vector<256x128xi1>
    %get3A_776 = arith.constant 0 : index
    %get3A_777 = arith.constant 0 : index
    %get3A_778 = vector.load %arg12[%get3A_776, %get3A_777] : memref<128x1024xf32, #tpu.memory_space<vmem>>, vector<128x1024xf32>
    %mul3A_779 = arith.constant 1.250000e-01 : f32
    %mul3A_780 = vector.broadcast %mul3A_779 : f32 to vector<128x1024xf32>
    %mul3A_781 = arith.mulf %get3A_778, %mul3A_780 : vector<128x1024xf32>
    %slice3A_782 = vector.extract_strided_slice %mul3A_781 {offsets = [0, 0], sizes = [128, 64], strides = [1, 1]} : vector<128x1024xf32> to vector<128x64xf32>
    %slice3A_783 = vector.extract_strided_slice %concatenate3A_629 {offsets = [0, 0], sizes = [256, 64], strides = [1, 1]} : vector<256x1024xf32> to vector<256x64xf32>
    %slice3A_784 = vector.extract_strided_slice %concatenate3A_642 {offsets = [0, 0], sizes = [256, 64], strides = [1, 1]} : vector<256x1024xf32> to vector<256x64xf32>
    %dot_general3A = arith.constant dense<0.000000e+00> : vector<256x128xf32>
    %dot_general3A_785 = tpu.matmul %slice3A_783, %slice3A_782, %dot_general3A {dimension_numbers = #tpu.dot_dimension_numbers<[1], [1], [0], [0], [0, 0, 1, 0], [], []>, transpose_lhs_hint = false} : vector<256x64xf32>, vector<128x64xf32>, vector<256x128xf32> -> vector<256x128xf32>
    %jit3A_786 = arith.constant -1.000000e+30 : f32
    %broadcast_in_dim3A_787 = vector.broadcast %jit3A_786 : f32 to vector<256x128xf32>
    %select_n3A_788 = arith.select %or3A_775, %dot_general3A_785, %broadcast_in_dim3A_787 : vector<256x128xi1>, vector<256x128xf32>
    %exp3A = math.exp %select_n3A_788 : vector<256x128xf32>
    %reduce_sum3A_789 = arith.constant dense<0.000000e+00> : vector<128xf32>
    %reduce_sum3A_790 = vector.multi_reduction <add>, %exp3A, %reduce_sum3A_789 [0] : vector<256x128xf32> to vector<128xf32>
    %broadcast_in_dim3A_791 = vector.shape_cast %reduce_sum3A_790 : vector<128xf32> to vector<1x128xf32>
    %div3A = arith.constant 1.000000e+00 : f32
    %div3A_792 = vector.broadcast %div3A : f32 to vector<1x128xf32>
    %div3A_793 = arith.divf %div3A_792, %broadcast_in_dim3A_791 : vector<1x128xf32>
    %mul3A_794 = vector.broadcast %div3A_793 : vector<1x128xf32> to vector<256x128xf32>
    %mul3A_795 = arith.mulf %exp3A, %mul3A_794 : vector<256x128xf32>
    %dot_general3A_796 = arith.constant dense<0.000000e+00> : vector<128x64xf32>
    %dot_general3A_797 = tpu.matmul %mul3A_795, %slice3A_784, %dot_general3A_796 {dimension_numbers = #tpu.dot_dimension_numbers<[0], [0], [1], [1], [0, 1, 1, 1], [], []>, transpose_lhs_hint = false} : vector<256x128xf32>, vector<256x64xf32>, vector<128x64xf32> -> vector<128x64xf32>
    %slice3A_798 = vector.extract_strided_slice %mul3A_781 {offsets = [0, 64], sizes = [128, 64], strides = [1, 1]} : vector<128x1024xf32> to vector<128x64xf32>
    %slice3A_799 = vector.extract_strided_slice %concatenate3A_629 {offsets = [0, 64], sizes = [256, 64], strides = [1, 1]} : vector<256x1024xf32> to vector<256x64xf32>
    %slice3A_800 = vector.extract_strided_slice %concatenate3A_642 {offsets = [0, 64], sizes = [256, 64], strides = [1, 1]} : vector<256x1024xf32> to vector<256x64xf32>
    %dot_general3A_801 = arith.constant dense<0.000000e+00> : vector<256x128xf32>
    %dot_general3A_802 = tpu.matmul %slice3A_799, %slice3A_798, %dot_general3A_801 {dimension_numbers = #tpu.dot_dimension_numbers<[1], [1], [0], [0], [0, 0, 1, 0], [], []>, transpose_lhs_hint = false} : vector<256x64xf32>, vector<128x64xf32>, vector<256x128xf32> -> vector<256x128xf32>
    %jit3A_803 = arith.constant -1.000000e+30 : f32
    %broadcast_in_dim3A_804 = vector.broadcast %jit3A_803 : f32 to vector<256x128xf32>
    %select_n3A_805 = arith.select %or3A_775, %dot_general3A_802, %broadcast_in_dim3A_804 : vector<256x128xi1>, vector<256x128xf32>
    %exp3A_806 = math.exp %select_n3A_805 : vector<256x128xf32>
    %reduce_sum3A_807 = arith.constant dense<0.000000e+00> : vector<128xf32>
    %reduce_sum3A_808 = vector.multi_reduction <add>, %exp3A_806, %reduce_sum3A_807 [0] : vector<256x128xf32> to vector<128xf32>
    %broadcast_in_dim3A_809 = vector.shape_cast %reduce_sum3A_808 : vector<128xf32> to vector<1x128xf32>
    %div3A_810 = arith.constant 1.000000e+00 : f32
    %div3A_811 = vector.broadcast %div3A_810 : f32 to vector<1x128xf32>
    %div3A_812 = arith.divf %div3A_811, %broadcast_in_dim3A_809 : vector<1x128xf32>
    %mul3A_813 = vector.broadcast %div3A_812 : vector<1x128xf32> to vector<256x128xf32>
    %mul3A_814 = arith.mulf %exp3A_806, %mul3A_813 : vector<256x128xf32>
    %dot_general3A_815 = arith.constant dense<0.000000e+00> : vector<128x64xf32>
    %dot_general3A_816 = tpu.matmul %mul3A_814, %slice3A_800, %dot_general3A_815 {dimension_numbers = #tpu.dot_dimension_numbers<[0], [0], [1], [1], [0, 1, 1, 1], [], []>, transpose_lhs_hint = false} : vector<256x128xf32>, vector<256x64xf32>, vector<128x64xf32> -> vector<128x64xf32>
    %slice3A_817 = vector.extract_strided_slice %mul3A_781 {offsets = [0, 128], sizes = [128, 64], strides = [1, 1]} : vector<128x1024xf32> to vector<128x64xf32>
    %slice3A_818 = vector.extract_strided_slice %concatenate3A_629 {offsets = [0, 128], sizes = [256, 64], strides = [1, 1]} : vector<256x1024xf32> to vector<256x64xf32>
    %slice3A_819 = vector.extract_strided_slice %concatenate3A_642 {offsets = [0, 128], sizes = [256, 64], strides = [1, 1]} : vector<256x1024xf32> to vector<256x64xf32>
    %dot_general3A_820 = arith.constant dense<0.000000e+00> : vector<256x128xf32>
    %dot_general3A_821 = tpu.matmul %slice3A_818, %slice3A_817, %dot_general3A_820 {dimension_numbers = #tpu.dot_dimension_numbers<[1], [1], [0], [0], [0, 0, 1, 0], [], []>, transpose_lhs_hint = false} : vector<256x64xf32>, vector<128x64xf32>, vector<256x128xf32> -> vector<256x128xf32>
    %jit3A_822 = arith.constant -1.000000e+30 : f32
    %broadcast_in_dim3A_823 = vector.broadcast %jit3A_822 : f32 to vector<256x128xf32>
    %select_n3A_824 = arith.select %or3A_775, %dot_general3A_821, %broadcast_in_dim3A_823 : vector<256x128xi1>, vector<256x128xf32>
    %exp3A_825 = math.exp %select_n3A_824 : vector<256x128xf32>
    %reduce_sum3A_826 = arith.constant dense<0.000000e+00> : vector<128xf32>
    %reduce_sum3A_827 = vector.multi_reduction <add>, %exp3A_825, %reduce_sum3A_826 [0] : vector<256x128xf32> to vector<128xf32>
    %broadcast_in_dim3A_828 = vector.shape_cast %reduce_sum3A_827 : vector<128xf32> to vector<1x128xf32>
    %div3A_829 = arith.constant 1.000000e+00 : f32
    %div3A_830 = vector.broadcast %div3A_829 : f32 to vector<1x128xf32>
    %div3A_831 = arith.divf %div3A_830, %broadcast_in_dim3A_828 : vector<1x128xf32>
    %mul3A_832 = vector.broadcast %div3A_831 : vector<1x128xf32> to vector<256x128xf32>
    %mul3A_833 = arith.mulf %exp3A_825, %mul3A_832 : vector<256x128xf32>
    %dot_general3A_834 = arith.constant dense<0.000000e+00> : vector<128x64xf32>
    %dot_general3A_835 = tpu.matmul %mul3A_833, %slice3A_819, %dot_general3A_834 {dimension_numbers = #tpu.dot_dimension_numbers<[0], [0], [1], [1], [0, 1, 1, 1], [], []>, transpose_lhs_hint = false} : vector<256x128xf32>, vector<256x64xf32>, vector<128x64xf32> -> vector<128x64xf32>
    %slice3A_836 = vector.extract_strided_slice %mul3A_781 {offsets = [0, 192], sizes = [128, 64], strides = [1, 1]} : vector<128x1024xf32> to vector<128x64xf32>
    %slice3A_837 = vector.extract_strided_slice %concatenate3A_629 {offsets = [0, 192], sizes = [256, 64], strides = [1, 1]} : vector<256x1024xf32> to vector<256x64xf32>
    %slice3A_838 = vector.extract_strided_slice %concatenate3A_642 {offsets = [0, 192], sizes = [256, 64], strides = [1, 1]} : vector<256x1024xf32> to vector<256x64xf32>
    %dot_general3A_839 = arith.constant dense<0.000000e+00> : vector<256x128xf32>
    %dot_general3A_840 = tpu.matmul %slice3A_837, %slice3A_836, %dot_general3A_839 {dimension_numbers = #tpu.dot_dimension_numbers<[1], [1], [0], [0], [0, 0, 1, 0], [], []>, transpose_lhs_hint = false} : vector<256x64xf32>, vector<128x64xf32>, vector<256x128xf32> -> vector<256x128xf32>
    %jit3A_841 = arith.constant -1.000000e+30 : f32
    %broadcast_in_dim3A_842 = vector.broadcast %jit3A_841 : f32 to vector<256x128xf32>
    %select_n3A_843 = arith.select %or3A_775, %dot_general3A_840, %broadcast_in_dim3A_842 : vector<256x128xi1>, vector<256x128xf32>
    %exp3A_844 = math.exp %select_n3A_843 : vector<256x128xf32>
    %reduce_sum3A_845 = arith.constant dense<0.000000e+00> : vector<128xf32>
    %reduce_sum3A_846 = vector.multi_reduction <add>, %exp3A_844, %reduce_sum3A_845 [0] : vector<256x128xf32> to vector<128xf32>
    %broadcast_in_dim3A_847 = vector.shape_cast %reduce_sum3A_846 : vector<128xf32> to vector<1x128xf32>
    %div3A_848 = arith.constant 1.000000e+00 : f32
    %div3A_849 = vector.broadcast %div3A_848 : f32 to vector<1x128xf32>
    %div3A_850 = arith.divf %div3A_849, %broadcast_in_dim3A_847 : vector<1x128xf32>
    %mul3A_851 = vector.broadcast %div3A_850 : vector<1x128xf32> to vector<256x128xf32>
    %mul3A_852 = arith.mulf %exp3A_844, %mul3A_851 : vector<256x128xf32>
    %dot_general3A_853 = arith.constant dense<0.000000e+00> : vector<128x64xf32>
    %dot_general3A_854 = tpu.matmul %mul3A_852, %slice3A_838, %dot_general3A_853 {dimension_numbers = #tpu.dot_dimension_numbers<[0], [0], [1], [1], [0, 1, 1, 1], [], []>, transpose_lhs_hint = false} : vector<256x128xf32>, vector<256x64xf32>, vector<128x64xf32> -> vector<128x64xf32>
    %slice3A_855 = vector.extract_strided_slice %mul3A_781 {offsets = [0, 256], sizes = [128, 64], strides = [1, 1]} : vector<128x1024xf32> to vector<128x64xf32>
    %slice3A_856 = vector.extract_strided_slice %concatenate3A_629 {offsets = [0, 256], sizes = [256, 64], strides = [1, 1]} : vector<256x1024xf32> to vector<256x64xf32>
    %slice3A_857 = vector.extract_strided_slice %concatenate3A_642 {offsets = [0, 256], sizes = [256, 64], strides = [1, 1]} : vector<256x1024xf32> to vector<256x64xf32>
    %dot_general3A_858 = arith.constant dense<0.000000e+00> : vector<256x128xf32>
    %dot_general3A_859 = tpu.matmul %slice3A_856, %slice3A_855, %dot_general3A_858 {dimension_numbers = #tpu.dot_dimension_numbers<[1], [1], [0], [0], [0, 0, 1, 0], [], []>, transpose_lhs_hint = false} : vector<256x64xf32>, vector<128x64xf32>, vector<256x128xf32> -> vector<256x128xf32>
    %jit3A_860 = arith.constant -1.000000e+30 : f32
    %broadcast_in_dim3A_861 = vector.broadcast %jit3A_860 : f32 to vector<256x128xf32>
    %select_n3A_862 = arith.select %or3A_775, %dot_general3A_859, %broadcast_in_dim3A_861 : vector<256x128xi1>, vector<256x128xf32>
    %exp3A_863 = math.exp %select_n3A_862 : vector<256x128xf32>
    %reduce_sum3A_864 = arith.constant dense<0.000000e+00> : vector<128xf32>
    %reduce_sum3A_865 = vector.multi_reduction <add>, %exp3A_863, %reduce_sum3A_864 [0] : vector<256x128xf32> to vector<128xf32>
    %broadcast_in_dim3A_866 = vector.shape_cast %reduce_sum3A_865 : vector<128xf32> to vector<1x128xf32>
    %div3A_867 = arith.constant 1.000000e+00 : f32
    %div3A_868 = vector.broadcast %div3A_867 : f32 to vector<1x128xf32>
    %div3A_869 = arith.divf %div3A_868, %broadcast_in_dim3A_866 : vector<1x128xf32>
    %mul3A_870 = vector.broadcast %div3A_869 : vector<1x128xf32> to vector<256x128xf32>
    %mul3A_871 = arith.mulf %exp3A_863, %mul3A_870 : vector<256x128xf32>
    %dot_general3A_872 = arith.constant dense<0.000000e+00> : vector<128x64xf32>
    %dot_general3A_873 = tpu.matmul %mul3A_871, %slice3A_857, %dot_general3A_872 {dimension_numbers = #tpu.dot_dimension_numbers<[0], [0], [1], [1], [0, 1, 1, 1], [], []>, transpose_lhs_hint = false} : vector<256x128xf32>, vector<256x64xf32>, vector<128x64xf32> -> vector<128x64xf32>
    %slice3A_874 = vector.extract_strided_slice %mul3A_781 {offsets = [0, 320], sizes = [128, 64], strides = [1, 1]} : vector<128x1024xf32> to vector<128x64xf32>
    %slice3A_875 = vector.extract_strided_slice %concatenate3A_629 {offsets = [0, 320], sizes = [256, 64], strides = [1, 1]} : vector<256x1024xf32> to vector<256x64xf32>
    %slice3A_876 = vector.extract_strided_slice %concatenate3A_642 {offsets = [0, 320], sizes = [256, 64], strides = [1, 1]} : vector<256x1024xf32> to vector<256x64xf32>
    %dot_general3A_877 = arith.constant dense<0.000000e+00> : vector<256x128xf32>
    %dot_general3A_878 = tpu.matmul %slice3A_875, %slice3A_874, %dot_general3A_877 {dimension_numbers = #tpu.dot_dimension_numbers<[1], [1], [0], [0], [0, 0, 1, 0], [], []>, transpose_lhs_hint = false} : vector<256x64xf32>, vector<128x64xf32>, vector<256x128xf32> -> vector<256x128xf32>
    %jit3A_879 = arith.constant -1.000000e+30 : f32
    %broadcast_in_dim3A_880 = vector.broadcast %jit3A_879 : f32 to vector<256x128xf32>
    %select_n3A_881 = arith.select %or3A_775, %dot_general3A_878, %broadcast_in_dim3A_880 : vector<256x128xi1>, vector<256x128xf32>
    %exp3A_882 = math.exp %select_n3A_881 : vector<256x128xf32>
    %reduce_sum3A_883 = arith.constant dense<0.000000e+00> : vector<128xf32>
    %reduce_sum3A_884 = vector.multi_reduction <add>, %exp3A_882, %reduce_sum3A_883 [0] : vector<256x128xf32> to vector<128xf32>
    %broadcast_in_dim3A_885 = vector.shape_cast %reduce_sum3A_884 : vector<128xf32> to vector<1x128xf32>
    %div3A_886 = arith.constant 1.000000e+00 : f32
    %div3A_887 = vector.broadcast %div3A_886 : f32 to vector<1x128xf32>
    %div3A_888 = arith.divf %div3A_887, %broadcast_in_dim3A_885 : vector<1x128xf32>
    %mul3A_889 = vector.broadcast %div3A_888 : vector<1x128xf32> to vector<256x128xf32>
    %mul3A_890 = arith.mulf %exp3A_882, %mul3A_889 : vector<256x128xf32>
    %dot_general3A_891 = arith.constant dense<0.000000e+00> : vector<128x64xf32>
    %dot_general3A_892 = tpu.matmul %mul3A_890, %slice3A_876, %dot_general3A_891 {dimension_numbers = #tpu.dot_dimension_numbers<[0], [0], [1], [1], [0, 1, 1, 1], [], []>, transpose_lhs_hint = false} : vector<256x128xf32>, vector<256x64xf32>, vector<128x64xf32> -> vector<128x64xf32>
    %slice3A_893 = vector.extract_strided_slice %mul3A_781 {offsets = [0, 384], sizes = [128, 64], strides = [1, 1]} : vector<128x1024xf32> to vector<128x64xf32>
    %slice3A_894 = vector.extract_strided_slice %concatenate3A_629 {offsets = [0, 384], sizes = [256, 64], strides = [1, 1]} : vector<256x1024xf32> to vector<256x64xf32>
    %slice3A_895 = vector.extract_strided_slice %concatenate3A_642 {offsets = [0, 384], sizes = [256, 64], strides = [1, 1]} : vector<256x1024xf32> to vector<256x64xf32>
    %dot_general3A_896 = arith.constant dense<0.000000e+00> : vector<256x128xf32>
    %dot_general3A_897 = tpu.matmul %slice3A_894, %slice3A_893, %dot_general3A_896 {dimension_numbers = #tpu.dot_dimension_numbers<[1], [1], [0], [0], [0, 0, 1, 0], [], []>, transpose_lhs_hint = false} : vector<256x64xf32>, vector<128x64xf32>, vector<256x128xf32> -> vector<256x128xf32>
    %jit3A_898 = arith.constant -1.000000e+30 : f32
    %broadcast_in_dim3A_899 = vector.broadcast %jit3A_898 : f32 to vector<256x128xf32>
    %select_n3A_900 = arith.select %or3A_775, %dot_general3A_897, %broadcast_in_dim3A_899 : vector<256x128xi1>, vector<256x128xf32>
    %exp3A_901 = math.exp %select_n3A_900 : vector<256x128xf32>
    %reduce_sum3A_902 = arith.constant dense<0.000000e+00> : vector<128xf32>
    %reduce_sum3A_903 = vector.multi_reduction <add>, %exp3A_901, %reduce_sum3A_902 [0] : vector<256x128xf32> to vector<128xf32>
    %broadcast_in_dim3A_904 = vector.shape_cast %reduce_sum3A_903 : vector<128xf32> to vector<1x128xf32>
    %div3A_905 = arith.constant 1.000000e+00 : f32
    %div3A_906 = vector.broadcast %div3A_905 : f32 to vector<1x128xf32>
    %div3A_907 = arith.divf %div3A_906, %broadcast_in_dim3A_904 : vector<1x128xf32>
    %mul3A_908 = vector.broadcast %div3A_907 : vector<1x128xf32> to vector<256x128xf32>
    %mul3A_909 = arith.mulf %exp3A_901, %mul3A_908 : vector<256x128xf32>
    %dot_general3A_910 = arith.constant dense<0.000000e+00> : vector<128x64xf32>
    %dot_general3A_911 = tpu.matmul %mul3A_909, %slice3A_895, %dot_general3A_910 {dimension_numbers = #tpu.dot_dimension_numbers<[0], [0], [1], [1], [0, 1, 1, 1], [], []>, transpose_lhs_hint = false} : vector<256x128xf32>, vector<256x64xf32>, vector<128x64xf32> -> vector<128x64xf32>
    %slice3A_912 = vector.extract_strided_slice %mul3A_781 {offsets = [0, 448], sizes = [128, 64], strides = [1, 1]} : vector<128x1024xf32> to vector<128x64xf32>
    %slice3A_913 = vector.extract_strided_slice %concatenate3A_629 {offsets = [0, 448], sizes = [256, 64], strides = [1, 1]} : vector<256x1024xf32> to vector<256x64xf32>
    %slice3A_914 = vector.extract_strided_slice %concatenate3A_642 {offsets = [0, 448], sizes = [256, 64], strides = [1, 1]} : vector<256x1024xf32> to vector<256x64xf32>
    %dot_general3A_915 = arith.constant dense<0.000000e+00> : vector<256x128xf32>
    %dot_general3A_916 = tpu.matmul %slice3A_913, %slice3A_912, %dot_general3A_915 {dimension_numbers = #tpu.dot_dimension_numbers<[1], [1], [0], [0], [0, 0, 1, 0], [], []>, transpose_lhs_hint = false} : vector<256x64xf32>, vector<128x64xf32>, vector<256x128xf32> -> vector<256x128xf32>
    %jit3A_917 = arith.constant -1.000000e+30 : f32
    %broadcast_in_dim3A_918 = vector.broadcast %jit3A_917 : f32 to vector<256x128xf32>
    %select_n3A_919 = arith.select %or3A_775, %dot_general3A_916, %broadcast_in_dim3A_918 : vector<256x128xi1>, vector<256x128xf32>
    %exp3A_920 = math.exp %select_n3A_919 : vector<256x128xf32>
    %reduce_sum3A_921 = arith.constant dense<0.000000e+00> : vector<128xf32>
    %reduce_sum3A_922 = vector.multi_reduction <add>, %exp3A_920, %reduce_sum3A_921 [0] : vector<256x128xf32> to vector<128xf32>
    %broadcast_in_dim3A_923 = vector.shape_cast %reduce_sum3A_922 : vector<128xf32> to vector<1x128xf32>
    %div3A_924 = arith.constant 1.000000e+00 : f32
    %div3A_925 = vector.broadcast %div3A_924 : f32 to vector<1x128xf32>
    %div3A_926 = arith.divf %div3A_925, %broadcast_in_dim3A_923 : vector<1x128xf32>
    %mul3A_927 = vector.broadcast %div3A_926 : vector<1x128xf32> to vector<256x128xf32>
    %mul3A_928 = arith.mulf %exp3A_920, %mul3A_927 : vector<256x128xf32>
    %dot_general3A_929 = arith.constant dense<0.000000e+00> : vector<128x64xf32>
    %dot_general3A_930 = tpu.matmul %mul3A_928, %slice3A_914, %dot_general3A_929 {dimension_numbers = #tpu.dot_dimension_numbers<[0], [0], [1], [1], [0, 1, 1, 1], [], []>, transpose_lhs_hint = false} : vector<256x128xf32>, vector<256x64xf32>, vector<128x64xf32> -> vector<128x64xf32>
    %slice3A_931 = vector.extract_strided_slice %mul3A_781 {offsets = [0, 512], sizes = [128, 64], strides = [1, 1]} : vector<128x1024xf32> to vector<128x64xf32>
    %slice3A_932 = vector.extract_strided_slice %concatenate3A_629 {offsets = [0, 512], sizes = [256, 64], strides = [1, 1]} : vector<256x1024xf32> to vector<256x64xf32>
    %slice3A_933 = vector.extract_strided_slice %concatenate3A_642 {offsets = [0, 512], sizes = [256, 64], strides = [1, 1]} : vector<256x1024xf32> to vector<256x64xf32>
    %dot_general3A_934 = arith.constant dense<0.000000e+00> : vector<256x128xf32>
    %dot_general3A_935 = tpu.matmul %slice3A_932, %slice3A_931, %dot_general3A_934 {dimension_numbers = #tpu.dot_dimension_numbers<[1], [1], [0], [0], [0, 0, 1, 0], [], []>, transpose_lhs_hint = false} : vector<256x64xf32>, vector<128x64xf32>, vector<256x128xf32> -> vector<256x128xf32>
    %jit3A_936 = arith.constant -1.000000e+30 : f32
    %broadcast_in_dim3A_937 = vector.broadcast %jit3A_936 : f32 to vector<256x128xf32>
    %select_n3A_938 = arith.select %or3A_775, %dot_general3A_935, %broadcast_in_dim3A_937 : vector<256x128xi1>, vector<256x128xf32>
    %exp3A_939 = math.exp %select_n3A_938 : vector<256x128xf32>
    %reduce_sum3A_940 = arith.constant dense<0.000000e+00> : vector<128xf32>
    %reduce_sum3A_941 = vector.multi_reduction <add>, %exp3A_939, %reduce_sum3A_940 [0] : vector<256x128xf32> to vector<128xf32>
    %broadcast_in_dim3A_942 = vector.shape_cast %reduce_sum3A_941 : vector<128xf32> to vector<1x128xf32>
    %div3A_943 = arith.constant 1.000000e+00 : f32
    %div3A_944 = vector.broadcast %div3A_943 : f32 to vector<1x128xf32>
    %div3A_945 = arith.divf %div3A_944, %broadcast_in_dim3A_942 : vector<1x128xf32>
    %mul3A_946 = vector.broadcast %div3A_945 : vector<1x128xf32> to vector<256x128xf32>
    %mul3A_947 = arith.mulf %exp3A_939, %mul3A_946 : vector<256x128xf32>
    %dot_general3A_948 = arith.constant dense<0.000000e+00> : vector<128x64xf32>
    %dot_general3A_949 = tpu.matmul %mul3A_947, %slice3A_933, %dot_general3A_948 {dimension_numbers = #tpu.dot_dimension_numbers<[0], [0], [1], [1], [0, 1, 1, 1], [], []>, transpose_lhs_hint = false} : vector<256x128xf32>, vector<256x64xf32>, vector<128x64xf32> -> vector<128x64xf32>
    %slice3A_950 = vector.extract_strided_slice %mul3A_781 {offsets = [0, 576], sizes = [128, 64], strides = [1, 1]} : vector<128x1024xf32> to vector<128x64xf32>
    %slice3A_951 = vector.extract_strided_slice %concatenate3A_629 {offsets = [0, 576], sizes = [256, 64], strides = [1, 1]} : vector<256x1024xf32> to vector<256x64xf32>
    %slice3A_952 = vector.extract_strided_slice %concatenate3A_642 {offsets = [0, 576], sizes = [256, 64], strides = [1, 1]} : vector<256x1024xf32> to vector<256x64xf32>
    %dot_general3A_953 = arith.constant dense<0.000000e+00> : vector<256x128xf32>
    %dot_general3A_954 = tpu.matmul %slice3A_951, %slice3A_950, %dot_general3A_953 {dimension_numbers = #tpu.dot_dimension_numbers<[1], [1], [0], [0], [0, 0, 1, 0], [], []>, transpose_lhs_hint = false} : vector<256x64xf32>, vector<128x64xf32>, vector<256x128xf32> -> vector<256x128xf32>
    %jit3A_955 = arith.constant -1.000000e+30 : f32
    %broadcast_in_dim3A_956 = vector.broadcast %jit3A_955 : f32 to vector<256x128xf32>
    %select_n3A_957 = arith.select %or3A_775, %dot_general3A_954, %broadcast_in_dim3A_956 : vector<256x128xi1>, vector<256x128xf32>
    %exp3A_958 = math.exp %select_n3A_957 : vector<256x128xf32>
    %reduce_sum3A_959 = arith.constant dense<0.000000e+00> : vector<128xf32>
    %reduce_sum3A_960 = vector.multi_reduction <add>, %exp3A_958, %reduce_sum3A_959 [0] : vector<256x128xf32> to vector<128xf32>
    %broadcast_in_dim3A_961 = vector.shape_cast %reduce_sum3A_960 : vector<128xf32> to vector<1x128xf32>
    %div3A_962 = arith.constant 1.000000e+00 : f32
    %div3A_963 = vector.broadcast %div3A_962 : f32 to vector<1x128xf32>
    %div3A_964 = arith.divf %div3A_963, %broadcast_in_dim3A_961 : vector<1x128xf32>
    %mul3A_965 = vector.broadcast %div3A_964 : vector<1x128xf32> to vector<256x128xf32>
    %mul3A_966 = arith.mulf %exp3A_958, %mul3A_965 : vector<256x128xf32>
    %dot_general3A_967 = arith.constant dense<0.000000e+00> : vector<128x64xf32>
    %dot_general3A_968 = tpu.matmul %mul3A_966, %slice3A_952, %dot_general3A_967 {dimension_numbers = #tpu.dot_dimension_numbers<[0], [0], [1], [1], [0, 1, 1, 1], [], []>, transpose_lhs_hint = false} : vector<256x128xf32>, vector<256x64xf32>, vector<128x64xf32> -> vector<128x64xf32>
    %slice3A_969 = vector.extract_strided_slice %mul3A_781 {offsets = [0, 640], sizes = [128, 64], strides = [1, 1]} : vector<128x1024xf32> to vector<128x64xf32>
    %slice3A_970 = vector.extract_strided_slice %concatenate3A_629 {offsets = [0, 640], sizes = [256, 64], strides = [1, 1]} : vector<256x1024xf32> to vector<256x64xf32>
    %slice3A_971 = vector.extract_strided_slice %concatenate3A_642 {offsets = [0, 640], sizes = [256, 64], strides = [1, 1]} : vector<256x1024xf32> to vector<256x64xf32>
    %dot_general3A_972 = arith.constant dense<0.000000e+00> : vector<256x128xf32>
    %dot_general3A_973 = tpu.matmul %slice3A_970, %slice3A_969, %dot_general3A_972 {dimension_numbers = #tpu.dot_dimension_numbers<[1], [1], [0], [0], [0, 0, 1, 0], [], []>, transpose_lhs_hint = false} : vector<256x64xf32>, vector<128x64xf32>, vector<256x128xf32> -> vector<256x128xf32>
    %jit3A_974 = arith.constant -1.000000e+30 : f32
    %broadcast_in_dim3A_975 = vector.broadcast %jit3A_974 : f32 to vector<256x128xf32>
    %select_n3A_976 = arith.select %or3A_775, %dot_general3A_973, %broadcast_in_dim3A_975 : vector<256x128xi1>, vector<256x128xf32>
    %exp3A_977 = math.exp %select_n3A_976 : vector<256x128xf32>
    %reduce_sum3A_978 = arith.constant dense<0.000000e+00> : vector<128xf32>
    %reduce_sum3A_979 = vector.multi_reduction <add>, %exp3A_977, %reduce_sum3A_978 [0] : vector<256x128xf32> to vector<128xf32>
    %broadcast_in_dim3A_980 = vector.shape_cast %reduce_sum3A_979 : vector<128xf32> to vector<1x128xf32>
    %div3A_981 = arith.constant 1.000000e+00 : f32
    %div3A_982 = vector.broadcast %div3A_981 : f32 to vector<1x128xf32>
    %div3A_983 = arith.divf %div3A_982, %broadcast_in_dim3A_980 : vector<1x128xf32>
    %mul3A_984 = vector.broadcast %div3A_983 : vector<1x128xf32> to vector<256x128xf32>
    %mul3A_985 = arith.mulf %exp3A_977, %mul3A_984 : vector<256x128xf32>
    %dot_general3A_986 = arith.constant dense<0.000000e+00> : vector<128x64xf32>
    %dot_general3A_987 = tpu.matmul %mul3A_985, %slice3A_971, %dot_general3A_986 {dimension_numbers = #tpu.dot_dimension_numbers<[0], [0], [1], [1], [0, 1, 1, 1], [], []>, transpose_lhs_hint = false} : vector<256x128xf32>, vector<256x64xf32>, vector<128x64xf32> -> vector<128x64xf32>
    %slice3A_988 = vector.extract_strided_slice %mul3A_781 {offsets = [0, 704], sizes = [128, 64], strides = [1, 1]} : vector<128x1024xf32> to vector<128x64xf32>
    %slice3A_989 = vector.extract_strided_slice %concatenate3A_629 {offsets = [0, 704], sizes = [256, 64], strides = [1, 1]} : vector<256x1024xf32> to vector<256x64xf32>
    %slice3A_990 = vector.extract_strided_slice %concatenate3A_642 {offsets = [0, 704], sizes = [256, 64], strides = [1, 1]} : vector<256x1024xf32> to vector<256x64xf32>
    %dot_general3A_991 = arith.constant dense<0.000000e+00> : vector<256x128xf32>
    %dot_general3A_992 = tpu.matmul %slice3A_989, %slice3A_988, %dot_general3A_991 {dimension_numbers = #tpu.dot_dimension_numbers<[1], [1], [0], [0], [0, 0, 1, 0], [], []>, transpose_lhs_hint = false} : vector<256x64xf32>, vector<128x64xf32>, vector<256x128xf32> -> vector<256x128xf32>
    %jit3A_993 = arith.constant -1.000000e+30 : f32
    %broadcast_in_dim3A_994 = vector.broadcast %jit3A_993 : f32 to vector<256x128xf32>
    %select_n3A_995 = arith.select %or3A_775, %dot_general3A_992, %broadcast_in_dim3A_994 : vector<256x128xi1>, vector<256x128xf32>
    %exp3A_996 = math.exp %select_n3A_995 : vector<256x128xf32>
    %reduce_sum3A_997 = arith.constant dense<0.000000e+00> : vector<128xf32>
    %reduce_sum3A_998 = vector.multi_reduction <add>, %exp3A_996, %reduce_sum3A_997 [0] : vector<256x128xf32> to vector<128xf32>
    %broadcast_in_dim3A_999 = vector.shape_cast %reduce_sum3A_998 : vector<128xf32> to vector<1x128xf32>
    %div3A_1000 = arith.constant 1.000000e+00 : f32
    %div3A_1001 = vector.broadcast %div3A_1000 : f32 to vector<1x128xf32>
    %div3A_1002 = arith.divf %div3A_1001, %broadcast_in_dim3A_999 : vector<1x128xf32>
    %mul3A_1003 = vector.broadcast %div3A_1002 : vector<1x128xf32> to vector<256x128xf32>
    %mul3A_1004 = arith.mulf %exp3A_996, %mul3A_1003 : vector<256x128xf32>
    %dot_general3A_1005 = arith.constant dense<0.000000e+00> : vector<128x64xf32>
    %dot_general3A_1006 = tpu.matmul %mul3A_1004, %slice3A_990, %dot_general3A_1005 {dimension_numbers = #tpu.dot_dimension_numbers<[0], [0], [1], [1], [0, 1, 1, 1], [], []>, transpose_lhs_hint = false} : vector<256x128xf32>, vector<256x64xf32>, vector<128x64xf32> -> vector<128x64xf32>
    %slice3A_1007 = vector.extract_strided_slice %mul3A_781 {offsets = [0, 768], sizes = [128, 64], strides = [1, 1]} : vector<128x1024xf32> to vector<128x64xf32>
    %slice3A_1008 = vector.extract_strided_slice %concatenate3A_629 {offsets = [0, 768], sizes = [256, 64], strides = [1, 1]} : vector<256x1024xf32> to vector<256x64xf32>
    %slice3A_1009 = vector.extract_strided_slice %concatenate3A_642 {offsets = [0, 768], sizes = [256, 64], strides = [1, 1]} : vector<256x1024xf32> to vector<256x64xf32>
    %dot_general3A_1010 = arith.constant dense<0.000000e+00> : vector<256x128xf32>
    %dot_general3A_1011 = tpu.matmul %slice3A_1008, %slice3A_1007, %dot_general3A_1010 {dimension_numbers = #tpu.dot_dimension_numbers<[1], [1], [0], [0], [0, 0, 1, 0], [], []>, transpose_lhs_hint = false} : vector<256x64xf32>, vector<128x64xf32>, vector<256x128xf32> -> vector<256x128xf32>
    %jit3A_1012 = arith.constant -1.000000e+30 : f32
    %broadcast_in_dim3A_1013 = vector.broadcast %jit3A_1012 : f32 to vector<256x128xf32>
    %select_n3A_1014 = arith.select %or3A_775, %dot_general3A_1011, %broadcast_in_dim3A_1013 : vector<256x128xi1>, vector<256x128xf32>
    %exp3A_1015 = math.exp %select_n3A_1014 : vector<256x128xf32>
    %reduce_sum3A_1016 = arith.constant dense<0.000000e+00> : vector<128xf32>
    %reduce_sum3A_1017 = vector.multi_reduction <add>, %exp3A_1015, %reduce_sum3A_1016 [0] : vector<256x128xf32> to vector<128xf32>
    %broadcast_in_dim3A_1018 = vector.shape_cast %reduce_sum3A_1017 : vector<128xf32> to vector<1x128xf32>
    %div3A_1019 = arith.constant 1.000000e+00 : f32
    %div3A_1020 = vector.broadcast %div3A_1019 : f32 to vector<1x128xf32>
    %div3A_1021 = arith.divf %div3A_1020, %broadcast_in_dim3A_1018 : vector<1x128xf32>
    %mul3A_1022 = vector.broadcast %div3A_1021 : vector<1x128xf32> to vector<256x128xf32>
    %mul3A_1023 = arith.mulf %exp3A_1015, %mul3A_1022 : vector<256x128xf32>
    %dot_general3A_1024 = arith.constant dense<0.000000e+00> : vector<128x64xf32>
    %dot_general3A_1025 = tpu.matmul %mul3A_1023, %slice3A_1009, %dot_general3A_1024 {dimension_numbers = #tpu.dot_dimension_numbers<[0], [0], [1], [1], [0, 1, 1, 1], [], []>, transpose_lhs_hint = false} : vector<256x128xf32>, vector<256x64xf32>, vector<128x64xf32> -> vector<128x64xf32>
    %slice3A_1026 = vector.extract_strided_slice %mul3A_781 {offsets = [0, 832], sizes = [128, 64], strides = [1, 1]} : vector<128x1024xf32> to vector<128x64xf32>
    %slice3A_1027 = vector.extract_strided_slice %concatenate3A_629 {offsets = [0, 832], sizes = [256, 64], strides = [1, 1]} : vector<256x1024xf32> to vector<256x64xf32>
    %slice3A_1028 = vector.extract_strided_slice %concatenate3A_642 {offsets = [0, 832], sizes = [256, 64], strides = [1, 1]} : vector<256x1024xf32> to vector<256x64xf32>
    %dot_general3A_1029 = arith.constant dense<0.000000e+00> : vector<256x128xf32>
    %dot_general3A_1030 = tpu.matmul %slice3A_1027, %slice3A_1026, %dot_general3A_1029 {dimension_numbers = #tpu.dot_dimension_numbers<[1], [1], [0], [0], [0, 0, 1, 0], [], []>, transpose_lhs_hint = false} : vector<256x64xf32>, vector<128x64xf32>, vector<256x128xf32> -> vector<256x128xf32>
    %jit3A_1031 = arith.constant -1.000000e+30 : f32
    %broadcast_in_dim3A_1032 = vector.broadcast %jit3A_1031 : f32 to vector<256x128xf32>
    %select_n3A_1033 = arith.select %or3A_775, %dot_general3A_1030, %broadcast_in_dim3A_1032 : vector<256x128xi1>, vector<256x128xf32>
    %exp3A_1034 = math.exp %select_n3A_1033 : vector<256x128xf32>
    %reduce_sum3A_1035 = arith.constant dense<0.000000e+00> : vector<128xf32>
    %reduce_sum3A_1036 = vector.multi_reduction <add>, %exp3A_1034, %reduce_sum3A_1035 [0] : vector<256x128xf32> to vector<128xf32>
    %broadcast_in_dim3A_1037 = vector.shape_cast %reduce_sum3A_1036 : vector<128xf32> to vector<1x128xf32>
    %div3A_1038 = arith.constant 1.000000e+00 : f32
    %div3A_1039 = vector.broadcast %div3A_1038 : f32 to vector<1x128xf32>
    %div3A_1040 = arith.divf %div3A_1039, %broadcast_in_dim3A_1037 : vector<1x128xf32>
    %mul3A_1041 = vector.broadcast %div3A_1040 : vector<1x128xf32> to vector<256x128xf32>
    %mul3A_1042 = arith.mulf %exp3A_1034, %mul3A_1041 : vector<256x128xf32>
    %dot_general3A_1043 = arith.constant dense<0.000000e+00> : vector<128x64xf32>
    %dot_general3A_1044 = tpu.matmul %mul3A_1042, %slice3A_1028, %dot_general3A_1043 {dimension_numbers = #tpu.dot_dimension_numbers<[0], [0], [1], [1], [0, 1, 1, 1], [], []>, transpose_lhs_hint = false} : vector<256x128xf32>, vector<256x64xf32>, vector<128x64xf32> -> vector<128x64xf32>
    %slice3A_1045 = vector.extract_strided_slice %mul3A_781 {offsets = [0, 896], sizes = [128, 64], strides = [1, 1]} : vector<128x1024xf32> to vector<128x64xf32>
    %slice3A_1046 = vector.extract_strided_slice %concatenate3A_629 {offsets = [0, 896], sizes = [256, 64], strides = [1, 1]} : vector<256x1024xf32> to vector<256x64xf32>
    %slice3A_1047 = vector.extract_strided_slice %concatenate3A_642 {offsets = [0, 896], sizes = [256, 64], strides = [1, 1]} : vector<256x1024xf32> to vector<256x64xf32>
    %dot_general3A_1048 = arith.constant dense<0.000000e+00> : vector<256x128xf32>
    %dot_general3A_1049 = tpu.matmul %slice3A_1046, %slice3A_1045, %dot_general3A_1048 {dimension_numbers = #tpu.dot_dimension_numbers<[1], [1], [0], [0], [0, 0, 1, 0], [], []>, transpose_lhs_hint = false} : vector<256x64xf32>, vector<128x64xf32>, vector<256x128xf32> -> vector<256x128xf32>
    %jit3A_1050 = arith.constant -1.000000e+30 : f32
    %broadcast_in_dim3A_1051 = vector.broadcast %jit3A_1050 : f32 to vector<256x128xf32>
    %select_n3A_1052 = arith.select %or3A_775, %dot_general3A_1049, %broadcast_in_dim3A_1051 : vector<256x128xi1>, vector<256x128xf32>
    %exp3A_1053 = math.exp %select_n3A_1052 : vector<256x128xf32>
    %reduce_sum3A_1054 = arith.constant dense<0.000000e+00> : vector<128xf32>
    %reduce_sum3A_1055 = vector.multi_reduction <add>, %exp3A_1053, %reduce_sum3A_1054 [0] : vector<256x128xf32> to vector<128xf32>
    %broadcast_in_dim3A_1056 = vector.shape_cast %reduce_sum3A_1055 : vector<128xf32> to vector<1x128xf32>
    %div3A_1057 = arith.constant 1.000000e+00 : f32
    %div3A_1058 = vector.broadcast %div3A_1057 : f32 to vector<1x128xf32>
    %div3A_1059 = arith.divf %div3A_1058, %broadcast_in_dim3A_1056 : vector<1x128xf32>
    %mul3A_1060 = vector.broadcast %div3A_1059 : vector<1x128xf32> to vector<256x128xf32>
    %mul3A_1061 = arith.mulf %exp3A_1053, %mul3A_1060 : vector<256x128xf32>
    %dot_general3A_1062 = arith.constant dense<0.000000e+00> : vector<128x64xf32>
    %dot_general3A_1063 = tpu.matmul %mul3A_1061, %slice3A_1047, %dot_general3A_1062 {dimension_numbers = #tpu.dot_dimension_numbers<[0], [0], [1], [1], [0, 1, 1, 1], [], []>, transpose_lhs_hint = false} : vector<256x128xf32>, vector<256x64xf32>, vector<128x64xf32> -> vector<128x64xf32>
    %slice3A_1064 = vector.extract_strided_slice %mul3A_781 {offsets = [0, 960], sizes = [128, 64], strides = [1, 1]} : vector<128x1024xf32> to vector<128x64xf32>
    %slice3A_1065 = vector.extract_strided_slice %concatenate3A_629 {offsets = [0, 960], sizes = [256, 64], strides = [1, 1]} : vector<256x1024xf32> to vector<256x64xf32>
    %slice3A_1066 = vector.extract_strided_slice %concatenate3A_642 {offsets = [0, 960], sizes = [256, 64], strides = [1, 1]} : vector<256x1024xf32> to vector<256x64xf32>
    %dot_general3A_1067 = arith.constant dense<0.000000e+00> : vector<256x128xf32>
    %dot_general3A_1068 = tpu.matmul %slice3A_1065, %slice3A_1064, %dot_general3A_1067 {dimension_numbers = #tpu.dot_dimension_numbers<[1], [1], [0], [0], [0, 0, 1, 0], [], []>, transpose_lhs_hint = false} : vector<256x64xf32>, vector<128x64xf32>, vector<256x128xf32> -> vector<256x128xf32>
    %jit3A_1069 = arith.constant -1.000000e+30 : f32
    %broadcast_in_dim3A_1070 = vector.broadcast %jit3A_1069 : f32 to vector<256x128xf32>
    %select_n3A_1071 = arith.select %or3A_775, %dot_general3A_1068, %broadcast_in_dim3A_1070 : vector<256x128xi1>, vector<256x128xf32>
    %exp3A_1072 = math.exp %select_n3A_1071 : vector<256x128xf32>
    %reduce_sum3A_1073 = arith.constant dense<0.000000e+00> : vector<128xf32>
    %reduce_sum3A_1074 = vector.multi_reduction <add>, %exp3A_1072, %reduce_sum3A_1073 [0] : vector<256x128xf32> to vector<128xf32>
    %broadcast_in_dim3A_1075 = vector.shape_cast %reduce_sum3A_1074 : vector<128xf32> to vector<1x128xf32>
    %div3A_1076 = arith.constant 1.000000e+00 : f32
    %div3A_1077 = vector.broadcast %div3A_1076 : f32 to vector<1x128xf32>
    %div3A_1078 = arith.divf %div3A_1077, %broadcast_in_dim3A_1075 : vector<1x128xf32>
    %mul3A_1079 = vector.broadcast %div3A_1078 : vector<1x128xf32> to vector<256x128xf32>
    %mul3A_1080 = arith.mulf %exp3A_1072, %mul3A_1079 : vector<256x128xf32>
    %dot_general3A_1081 = arith.constant dense<0.000000e+00> : vector<128x64xf32>
    %dot_general3A_1082 = tpu.matmul %mul3A_1080, %slice3A_1066, %dot_general3A_1081 {dimension_numbers = #tpu.dot_dimension_numbers<[0], [0], [1], [1], [0, 1, 1, 1], [], []>, transpose_lhs_hint = false} : vector<256x128xf32>, vector<256x64xf32>, vector<128x64xf32> -> vector<128x64xf32>
    %concatenate3A_1083 = tpu.concatenate %dot_general3A_797, %dot_general3A_816, %dot_general3A_835, %dot_general3A_854, %dot_general3A_873, %dot_general3A_892, %dot_general3A_911, %dot_general3A_930, %dot_general3A_949, %dot_general3A_968, %dot_general3A_987, %dot_general3A_1006, %dot_general3A_1025, %dot_general3A_1044, %dot_general3A_1063, %dot_general3A_1082 in 1 : vector<128x64xf32>, vector<128x64xf32>, vector<128x64xf32>, vector<128x64xf32>, vector<128x64xf32>, vector<128x64xf32>, vector<128x64xf32>, vector<128x64xf32>, vector<128x64xf32>, vector<128x64xf32>, vector<128x64xf32>, vector<128x64xf32>, vector<128x64xf32>, vector<128x64xf32>, vector<128x64xf32>, vector<128x64xf32> -> vector<128x1024xf32>
    %get3A_1084 = arith.constant 0 : index
    %get3A_1085 = arith.constant 0 : index
    %get3A_1086 = vector.load %arg21[%get3A_1084, %get3A_1085] : memref<1024x1024xf32, #tpu.memory_space<vmem>>, vector<1024x1024xf32>
    %dot_general3A_1087 = arith.constant dense<0.000000e+00> : vector<128x1024xf32>
    %dot_general3A_1088 = tpu.matmul %concatenate3A_1083, %get3A_1086, %dot_general3A_1087 {dimension_numbers = #tpu.dot_dimension_numbers<[1], [0], [0], [1], [0, 0, 1, 1], [], []>, transpose_lhs_hint = false} : vector<128x1024xf32>, vector<1024x1024xf32>, vector<128x1024xf32> -> vector<128x1024xf32>
    %get3A_1089 = arith.constant 0 : index
    %get3A_1090 = arith.constant 0 : index
    %get3A_1091 = vector.load %arg22[%get3A_1089, %get3A_1090] : memref<1x1024xf32, #tpu.memory_space<vmem>>, vector<1x1024xf32>
    %add3A_1092 = vector.broadcast %get3A_1091 : vector<1x1024xf32> to vector<128x1024xf32>
    %add3A_1093 = arith.addf %dot_general3A_1088, %add3A_1092 : vector<128x1024xf32>
    %swap3A = arith.constant 0 : index
    %swap3A_1094 = arith.constant 0 : index
    %swap3A_1095 = vector.load %arg23[%swap3A, %swap3A_1094] : memref<128x1024xf32, #tpu.memory_space<vmem>>, vector<128x1024xf32>
    tpu.vector_store %arg23[%swap3A, %swap3A_1094], %add3A_1093 {strides = array<i32>} : memref<128x1024xf32, #tpu.memory_space<vmem>>, vector<128x1024xf32>,
    return
  }
  func.func @transform_0(%arg0: i32) -> (i32, i32, i32) {
    %sub3A = arith.constant 1 : i32
    %sub3A_0 = arith.subi %arg0, %sub3A : i32
    %max3A = arith.constant 0 : i32
    %max3A_1 = arith.maxsi %sub3A_0, %max3A : i32
    %c0_i32 = arith.constant 0 : i32
    %c0_i32_2 = arith.constant 0 : i32
    %c0_i32_3 = arith.constant 0 : i32
    return %max3A_1, %c0_i32, %c0_i32_2 : i32, i32, i32
  }
  func.func @transform_1(%arg0: i32) -> (i32, i32, i32) {
    %c0_i32 = arith.constant 0 : i32
    %c0_i32_0 = arith.constant 0 : i32
    %c0_i32_1 = arith.constant 0 : i32
    return %arg0, %c0_i32, %c0_i32_0 : i32, i32, i32
  }
  func.func @transform_2(%arg0: i32) -> (i32, i32, i32) {
    %add3A = arith.constant 1 : i32
    %add3A_0 = arith.addi %arg0, %add3A : i32
    %min3A = arith.constant 15 : i32
    %min3A_1 = arith.minsi %add3A_0, %min3A : i32
    %c0_i32 = arith.constant 0 : i32
    %c0_i32_2 = arith.constant 0 : i32
    %c0_i32_3 = arith.constant 0 : i32
    return %min3A_1, %c0_i32, %c0_i32_2 : i32, i32, i32
  }
  func.func @transform_3(%arg0: i32) -> (i32, i32) {
    %mul3A = arith.constant 2 : i32
    %mul3A_0 = arith.muli %mul3A, %arg0 : i32
    %sub3A = arith.constant 1 : i32
    %sub3A_1 = arith.subi %mul3A_0, %sub3A : i32
    %max3A = arith.constant 0 : i32
    %max3A_2 = arith.maxsi %sub3A_1, %max3A : i32
    %c0_i32 = arith.constant 0 : i32
    %c0_i32_3 = arith.constant 0 : i32
    return %max3A_2, %c0_i32 : i32, i32
  }
  func.func @transform_4(%arg0: i32) -> (i32, i32) {
    %mul3A = arith.constant 2 : i32
    %mul3A_0 = arith.muli %mul3A, %arg0 : i32
    %c0_i32 = arith.constant 0 : i32
    %c0_i32_1 = arith.constant 0 : i32
    return %mul3A_0, %c0_i32 : i32, i32
  }
  func.func @transform_5(%arg0: i32) -> (i32, i32) {
    %mul3A = arith.constant 2 : i32
    %mul3A_0 = arith.muli %mul3A, %arg0 : i32
    %add3A = arith.constant 1 : i32
    %add3A_1 = arith.addi %mul3A_0, %add3A : i32
    %c0_i32 = arith.constant 0 : i32
    %c0_i32_2 = arith.constant 0 : i32
    return %add3A_1, %c0_i32 : i32, i32
  }
  func.func @transform_6(%arg0: i32) -> (i32, i32) {
    %mul3A = arith.constant 2 : i32
    %mul3A_0 = arith.muli %mul3A, %arg0 : i32
    %add3A = arith.constant 2 : i32
    %add3A_1 = arith.addi %mul3A_0, %add3A : i32
    %min3A = arith.constant 31 : i32
    %min3A_2 = arith.minsi %add3A_1, %min3A : i32
    %c0_i32 = arith.constant 0 : i32
    %c0_i32_3 = arith.constant 0 : i32
    return %min3A_2, %c0_i32 : i32, i32
  }
  func.func @transform_7(%arg0: i32) -> (i32, i32) {
    %mul3A = arith.constant 2 : i32
    %mul3A_0 = arith.muli %mul3A, %arg0 : i32
    %sub3A = arith.constant 1 : i32
    %sub3A_1 = arith.subi %mul3A_0, %sub3A : i32
    %max3A = arith.constant 0 : i32
    %max3A_2 = arith.maxsi %sub3A_1, %max3A : i32
    %c0_i32 = arith.constant 0 : i32
    %c0_i32_3 = arith.constant 0 : i32
    return %max3A_2, %c0_i32 : i32, i32
  }
  func.func @transform_8(%arg0: i32) -> (i32, i32) {
    %mul3A = arith.constant 2 : i32
    %mul3A_0 = arith.muli %mul3A, %arg0 : i32
    %c0_i32 = arith.constant 0 : i32
    %c0_i32_1 = arith.constant 0 : i32
    return %mul3A_0, %c0_i32 : i32, i32
  }
  func.func @transform_9(%arg0: i32) -> (i32, i32) {
    %mul3A = arith.constant 2 : i32
    %mul3A_0 = arith.muli %mul3A, %arg0 : i32
    %add3A = arith.constant 1 : i32
    %add3A_1 = arith.addi %mul3A_0, %add3A : i32
    %c0_i32 = arith.constant 0 : i32
    %c0_i32_2 = arith.constant 0 : i32
    return %add3A_1, %c0_i32 : i32, i32
  }
  func.func @transform_10(%arg0: i32) -> (i32, i32) {
    %mul3A = arith.constant 2 : i32
    %mul3A_0 = arith.muli %mul3A, %arg0 : i32
    %add3A = arith.constant 2 : i32
    %add3A_1 = arith.addi %mul3A_0, %add3A : i32
    %min3A = arith.constant 31 : i32
    %min3A_2 = arith.minsi %add3A_1, %min3A : i32
    %c0_i32 = arith.constant 0 : i32
    %c0_i32_3 = arith.constant 0 : i32
    return %min3A_2, %c0_i32 : i32, i32
  }
  func.func @transform_11(%arg0: i32) -> (i32, i32) {
    %c0_i32 = arith.constant 0 : i32
    %c0_i32_0 = arith.constant 0 : i32
    return %arg0, %c0_i32 : i32, i32
  }
  func.func @transform_12(%arg0: i32) -> (i32, i32) {
    %mul3A = arith.constant 2 : i32
    %mul3A_0 = arith.muli %mul3A, %arg0 : i32
    %sub3A = arith.constant 1 : i32
    %sub3A_1 = arith.subi %mul3A_0, %sub3A : i32
    %max3A = arith.constant 0 : i32
    %max3A_2 = arith.maxsi %sub3A_1, %max3A : i32
    %c1_i32 = arith.constant 1 : i32
    %c0_i32 = arith.constant 0 : i32
    return %max3A_2, %c1_i32 : i32, i32
  }
  func.func @transform_13(%arg0: i32) -> (i32, i32) {
    %mul3A = arith.constant 2 : i32
    %mul3A_0 = arith.muli %mul3A, %arg0 : i32
    %c1_i32 = arith.constant 1 : i32
    %c0_i32 = arith.constant 0 : i32
    return %mul3A_0, %c1_i32 : i32, i32
  }
  func.func @transform_14(%arg0: i32) -> (i32, i32) {
    %mul3A = arith.constant 2 : i32
    %mul3A_0 = arith.muli %mul3A, %arg0 : i32
    %add3A = arith.constant 1 : i32
    %add3A_1 = arith.addi %mul3A_0, %add3A : i32
    %c1_i32 = arith.constant 1 : i32
    %c0_i32 = arith.constant 0 : i32
    return %add3A_1, %c1_i32 : i32, i32
  }
  func.func @transform_15(%arg0: i32) -> (i32, i32) {
    %mul3A = arith.constant 2 : i32
    %mul3A_0 = arith.muli %mul3A, %arg0 : i32
    %add3A = arith.constant 2 : i32
    %add3A_1 = arith.addi %mul3A_0, %add3A : i32
    %min3A = arith.constant 31 : i32
    %min3A_2 = arith.minsi %add3A_1, %min3A : i32
    %c1_i32 = arith.constant 1 : i32
    %c0_i32 = arith.constant 0 : i32
    return %min3A_2, %c1_i32 : i32, i32
  }
  func.func @transform_16(%arg0: i32) -> (i32, i32) {
    %mul3A = arith.constant 2 : i32
    %mul3A_0 = arith.muli %mul3A, %arg0 : i32
    %sub3A = arith.constant 1 : i32
    %sub3A_1 = arith.subi %mul3A_0, %sub3A : i32
    %max3A = arith.constant 0 : i32
    %max3A_2 = arith.maxsi %sub3A_1, %max3A : i32
    %c2_i32 = arith.constant 2 : i32
    %c0_i32 = arith.constant 0 : i32
    return %max3A_2, %c2_i32 : i32, i32
  }
  func.func @transform_17(%arg0: i32) -> (i32, i32) {
    %mul3A = arith.constant 2 : i32
    %mul3A_0 = arith.muli %mul3A, %arg0 : i32
    %c2_i32 = arith.constant 2 : i32
    %c0_i32 = arith.constant 0 : i32
    return %mul3A_0, %c2_i32 : i32, i32
  }
  func.func @transform_18(%arg0: i32) -> (i32, i32) {
    %mul3A = arith.constant 2 : i32
    %mul3A_0 = arith.muli %mul3A, %arg0 : i32
    %add3A = arith.constant 1 : i32
    %add3A_1 = arith.addi %mul3A_0, %add3A : i32
    %c2_i32 = arith.constant 2 : i32
    %c0_i32 = arith.constant 0 : i32
    return %add3A_1, %c2_i32 : i32, i32
  }
  func.func @transform_19(%arg0: i32) -> (i32, i32) {
    %mul3A = arith.constant 2 : i32
    %mul3A_0 = arith.muli %mul3A, %arg0 : i32
    %add3A = arith.constant 2 : i32
    %add3A_1 = arith.addi %mul3A_0, %add3A : i32
    %min3A = arith.constant 31 : i32
    %min3A_2 = arith.minsi %add3A_1, %min3A : i32
    %c2_i32 = arith.constant 2 : i32
    %c0_i32 = arith.constant 0 : i32
    return %min3A_2, %c2_i32 : i32, i32
  }
  func.func @transform_20(%arg0: i32) -> (i32, i32) {
    %c0_i32 = arith.constant 0 : i32
    %c0_i32_0 = arith.constant 0 : i32
    %c0_i32_1 = arith.constant 0 : i32
    return %c0_i32, %c0_i32_0 : i32, i32
  }
  func.func @transform_21(%arg0: i32) -> (i32, i32) {
    %c0_i32 = arith.constant 0 : i32
    %c0_i32_0 = arith.constant 0 : i32
    %c0_i32_1 = arith.constant 0 : i32
    return %c0_i32, %c0_i32_0 : i32, i32
  }
  func.func @transform_22(%arg0: i32) -> (i32, i32) {
    %c0_i32 = arith.constant 0 : i32
    %c0_i32_0 = arith.constant 0 : i32
    return %arg0, %c0_i32 : i32, i32
  }
}

</mosaic_0001>

<sc_bundles>
// kernel: kernel.11.cloned.1.call-start
scs
__scs_entry_jumppad:
0x0: {  	(pc) =	sbr.rel $0x88, $3  }
0x1: {  	(tag) =	ssettag $0x0;
	lr =	simm.s32 $0x1  }
0x2: {  	[smem:$0x3F9B] =	sst lr;
	_ =	strace $0xD0000000  }
0x3: {  	_ = 	snop  }
0x4: {  	_ = 	snop  }
0x5: {  	_ = 	snop  }
0x6: {  	_ = 	snop  }
0x7: {  	_ = 	snop  }
__scs_overlays_trampoline_lowered:
0x8: {  	[smem:$0x3FAA] =	sst s0  }
0x9: {  	[smem:$0x3FAB] =	sst s1  }
0xa: {  	[smem:$0x3FAC] =	sst s2  }
0xb: {  	[smem:$0x3FAD] =	sst s3  }
0xc: {  	[smem:$0x3FAE] =	sst s4  }
0xd: {  	[smem:$0x3FAF] =	sst s5  }
0xe: {  	[smem:$0x3FB0] =	sst s6  }
0xf: {  	[smem:$0x3FB1] =	sst s7  }
0x10: {  	[smem:$0x3FB2] =	sst s8  }
0x11: {  	[smem:$0x3FB3] =	sst s9;
	s0 =	simm.s32 @!p0 $0x0  }
0x12: {  	s1 =	sld [smem:$0x3F99];
	s0 =	simm.s32 @p0 $0x1  }
0x13: {  	[smem:$0x3FB4] =	sst s0;
	s0 =	simm.s32 @!p1 $0x0  }
0x14: {  	s2 =	sld [smem:$0x3F98];
	s0 =	simm.s32 @p1 $0x1  }
0x15: {  	[smem:$0x3FB5] =	sst s0;
	s0 =	simm.s32 @!p2 $0x0  }
0x16: {  	s3 =	sld [smem:$0x3FDB];
	s0 =	simm.s32 @p2 $0x1  }
0x17: {  	s4 =	simm.s32 $0x1BF5;
	[smem:$0x3FB7] =	sst s0  }
0x18: {  	s0 =	sld [smem:$0x3F9A];
	_ =	swait.ge [sflag:s4], $0x0  }
0x19: {  	s7 =	sld [smem:$0x3F9B]  }
0x1a: {  	s8 =	sadd.s32 $0xFFFFE003, lr  }
0x1b: {  	s9 =	sadd.s32 $0xFFFFFEF7, lr;
	s5 =	simm.s32 $0xFFFFFFFF;
	p2 =	slt.u32 s8, $0xFFFFF086  }
0x1c: {  	p1 =	slt.u32 s9, $0xF7A;
	s5 =	simm.s32 @!p2 $0x0  }
0x1d: {  	s5 =	simm.s32 @p1 $0x1;
	p0 =	seq.s32 s7, s2  }
0x1e: {  	s7 =	smul.u32 @!p0 $0xF7A, s2;
	p2 =	seq.s32 @!p0 s5, $0x0  }
0x1f: {  	s9 =	smul.u32 $0xF7A, s1;
	s8 =	simm.s32 @!p0 $0x1BF5;
	p2 =	por !p2, p0  }
0x20: {  	[sflag:s8] =	ssyncset.s32 @!p0 $0xFFFFF086;
	s6 =	sadd.s32 @!p0 s3, s7;
	s7 =	simm.s32 @!p0 $0x108  }
0x21: {  	s3 =	sadd.s32 s3, s9;
	s6 =	sadd.s32 @!p0 $0x88, s6;
	s7 =	simm.s32 @p2 $0x1082  }
0x22: {  	[simem:s7], [sflag:s8] =	dma.local @!p0 [hbm:s6], $0xF7A  }
0x23: {  	s9 =	sor.u32 $0xD0000000, s2;
	s6 =	simm.s32 $0x108;
	_ =	swait.ge @!p0 [sflag:s8], $0x0  }
0x24: {  	s3 =	sadd.s32 $0x88, s3;
	s6 =	simm.s32 @!p1 $0x1082;
	[sflag:s4] =	ssyncset.s32 $0xFFFFF086  }
0x25: {  	[simem:s6], [sflag:s4] =	dma.local [hbm:s3], $0xF7A  }
0x26: {  	[smem:$0x3F9B] =	sst s1;
	(tag) =	ssettag s2;
	_ =	strace s9  }
0x27: {  	s1 =	sld [smem:$0x3FAB]  }
0x28: {  	s2 =	sld [smem:$0x3FAC]  }
0x29: {  	s4 =	sld [smem:$0x3FAE]  }
0x2a: {  	p0 =	seq.s32 s5, $0x0;
	s5 =	sld [smem:$0x3FAF]  }
0x2b: {  	s6 =	sld [smem:$0x3FB0]  }
0x2c: {  	s7 =	sld [smem:$0x3FB1]  }
0x2d: {  	s3 =	simm.s32 $0x108;
	s8 =	sld [smem:$0x3FB2]  }
0x2e: {  	s3 =	simm.s32 @!p0 $0x1082;
	s9 =	sld [smem:$0x3FB3]  }
0x2f: {  	lr =	sadd.s32 s0, s3;
	s0 =	sld [smem:$0x3FAA]  }
0x30: {  	s3 =	sld [smem:$0x3FAD]  }
0x31: {  	[smem:$0x3FB6] =	sst s10  }
0x32: {  	s10 =	sld [smem:$0x3FB4];
	_ =	sdelay $0x3  }
0x33: {  	p0 =	seq.s32 s10, $0x1;
	s10 =	sld [smem:$0x3FB6];
	_ =	sdelay $0x3  }
0x34: {  	[smem:$0x3FB6] =	sst s10  }
0x35: {  	s10 =	sld [smem:$0x3FB5];
	_ =	sdelay $0x3  }
0x36: {  	p1 =	seq.s32 s10, $0x1;
	s10 =	sld [smem:$0x3FB6];
	_ =	sdelay $0x3  }
0x37: {  	[smem:$0x3FB6] =	sst s10  }
0x38: {  	s10 =	sld [smem:$0x3FB7]  }
0x39: {  	_ = 	snop;
	(pc) =	sbr.ind lr, $3  }
0x3a: {  	_ = 	snop  }
0x3b: {  	_ = 	snop  }
0x3c: {  	p2 =	seq.s32 s10, $0x1;
	s10 =	sld [smem:$0x3FB6]  }
0x3d: {  	_ =	shalt  }
0x3e: {  	_ =	shalt  }
0x3f: {  	_ =	shalt  }
0x40: {  	_ =	shalt  }
0x41: {  	_ =	shalt  }
0x42: {  	_ =	shalt  }
0x43: {  	_ =	shalt  }
0x44: {  	_ =	shalt  }
0x45: {  	_ =	shalt  }
0x46: {  	_ =	shalt  }
0x47: {  	_ =	shalt  }
0x48: {  	_ =	shalt  }
0x49: {  	_ =	shalt  }
0x4a: {  	_ =	shalt  }
0x4b: {  	_ =	shalt  }
0x4c: {  	_ =	shalt  }
0x4d: {  	_ =	shalt  }
0x4e: {  	_ =	shalt  }
0x4f: {  	_ =	shalt  }
0x50: {  	_ =	shalt  }
0x51: {  	_ =	shalt  }
0x52: {  	_ =	shalt  }
0x53: {  	_ =	shalt  }
0x54: {  	_ =	shalt  }
0x55: {  	_ =	shalt  }
0x56: {  	_ =	shalt  }
0x57: {  	_ =	shalt  }
0x58: {  	_ =	shalt  }
0x59: {  	_ =	shalt  }
0x5a: {  	_ =	shalt  }
0x5b: {  	_ =	shalt  }
0x5c: {  	_ =	shalt  }
0x5d: {  	_ =	shalt  }
0x5e: {  	_ =	shalt  }
0x5f: {  	_ =	shalt  }
0x60: {  	_ =	shalt  }
0x61: {  	_ =	shalt  }
0x62: {  	_ =	shalt  }
0x63: {  	_ =	shalt  }
0x64: {  	_ =	shalt  }
0x65: {  	_ =	shalt  }
0x66: {  	_ =	shalt  }
0x67: {  	_ =	shalt  }
0x68: {  	_ =	shalt  }
0x69: {  	_ =	shalt  }
0x6a: {  	_ =	shalt  }
0x6b: {  	_ =	shalt  }
0x6c: {  	_ =	shalt  }
0x6d: {  	_ =	shalt  }
0x6e: {  	_ =	shalt  }
0x6f: {  	_ =	shalt  }
0x70: {  	_ =	shalt  }
0x71: {  	_ =	shalt  }
0x72: {  	_ =	shalt  }
0x73: {  	_ =	shalt  }
0x74: {  	_ =	shalt  }
0x75: {  	_ =	shalt  }
0x76: {  	_ =	shalt  }
0x77: {  	_ =	shalt  }
0x78: {  	_ =	shalt  }
0x79: {  	_ =	shalt  }
0x7a: {  	_ =	shalt  }
0x7b: {  	_ =	shalt  }
0x7c: {  	_ =	shalt  }
0x7d: {  	_ =	shalt  }
0x7e: {  	_ =	shalt  }
0x7f: {  	_ =	shalt  }
0x80: {  	_ =	shalt  }
0x81: {  	_ =	shalt  }
0x82: {  	_ =	shalt  }
0x83: {  	_ =	shalt  }
0x84: {  	_ =	shalt  }
0x85: {  	_ =	shalt  }
0x86: {  	_ =	shalt  }
0x87: {  	_ =	shalt  }
.Lfunc_end0:
.L_simem_size_0:
called_computation.1_lowered:
.L_overlay_start_0:
0x88: {  	s2 =	sld [smem:$0x3FD9]  }
0x89: {  	s3 =	sld [smem:$0x3FFE];
	_ =	sdelay $0x1  }
0x8a: {  	s1 =	srdreg.scid  }
0x8b: {  	s0 =	sand.u32 $0x1, s1  }
0x8c: {  	s17 =	sshll.u32 s0, $0xA;
	s2 =	sadd.s32 s3, s2  }
0x8d: {  	s2 =	sadd.s32 s2, s17  }
0x8e: {  	[smem:$0x3FC2] =	sst s2  }
0x8f: {  	_ = 	snop  }
0x90: {  	s2 =	sld [smem:$0x3FD0];
	(tm) =	ssettm $0x1  }
0x91: {  	s18 =	sld [smem:$0x3FFB];
	_ =	sdelay $0x3  }
0x92: {  	_ =	strace s18  }
0x93: {  	s3 =	sld [smem:$0x3FFC];
	_ =	sdelay $0x3  }
0x94: {  	_ =	strace s3  }
0x95: {  	s3 =	sld [smem:$0x3FFD];
	_ =	sdelay $0x3  }
0x96: {  	_ =	strace s3  }
0x97: {  	_ =	strace $0x8FFFFFFF  }
0x98: {  	s19 =	sld [smem:$0x3FDB];
	_ =	sdelay $0x1  }
0x99: {  	s4 =	simm.s32 $_scs_section_size  }
0x9a: {  	s5 =	simm.s32 $_size__tile_overlayer_lowered;
	s6 =	simm.s32 $_tile_overlayer_lowered  }
0x9b: {  	s22 =	simm.s32 $0x1BFF;
	s21 =	sshll.u32 s6, $0x1;
	s3 =	sadd.s32 s4, s19  }
0x9c: {  	s7 =	simm.s32 $0x0;
	s20 =	sshll.u32 s5, $0x1;
	s5 =	sadd.s32 s21, s3  }
0x9d: {  	[timem:s7], [sflag:s22] =	dma.local [hbm:s5], s20  }
0x9e: {  	_ =	swait.ge [sflag:s22], s20  }
0x9f: {  	s4 =	ssub.s32 $0x0, s20;
	[sflag:s22] =	ssyncset.done $0x0  }
0xa0: {  	[sflag:s22] =	ssyncadd.s32 s4;
	_ =	sdelay $0x1  }
0xa1: {  	s23 =	simm.s32 $0x1B8B  }
0xa2: {  	_ =	swait.ge [sflag:s23], $0x1  }
0xa3: {  	[sflag:s23] =	ssyncset.done $0x0  }
0xa4: {  	s25 =	simm.s32 $0x1B8E;
	s24 =	sld [smem:$0x3FFE];
	[sflag:s23] =	ssyncadd.s32 $0xFFFFFFFF  }
0xa5: {  	s26 =	simm.s32 $execute0_lowered;
	[smem:$0x3FD2] =	sst s25  }
0xa6: {  	s5 =	sshll.u32 s26, $0x1;
	_ =	strace $0x80000049;
	[dreg:$0x1] =	wrdreg $0xFFFFFFFF  }
0xa7: {  	s28 =	simm.s32 $_size_execute0_lowered;
	s3 =	sadd.s32 s3, s5;
	[dreg:$0x0] =	wrdreg $0x0  }
0xa8: {  	s5 =	sshll.u32 s28, $0x1;
	[dreg:$0x2] =	wrdreg s3  }
0xa9: {  	[dreg:$0x3] =	wrdreg s5  }
0xaa: {  	[dreg:$0x4] =	wrdreg $0xC0  }
0xab: {  	_ =	task [dreg:s7], $0x5FFFF  }
0xac: {  	[dreg:$0x1] =	wrdreg $0xFFFFFFFF  }
0xad: {  	[dreg:$0x0] =	wrdreg $0x60  }
0xae: {  	[dreg:$0x2] =	wrdreg s24  }
0xaf: {  	[dreg:$0x3] =	wrdreg s2  }
0xb0: {  	[dreg:$0x4] =	wrdreg $0x9  }
0xb1: {  	_ =	task.clear_ibuf [dreg:s7], $0x5FFFF;
	_ =	strace $0x90000049  }
0xb2: {  	s29 =	simm.s32 $0x9;
	_ =	strace $0x8000004B  }
0xb3: {  	_ =	swait.ge [sflag:s29], $0x1  }
0xb4: {  	[sflag:s29] =	ssyncadd.s32 $0xFFFFFFFF  }
0xb5: {  	_ =	strace $0x9000004B  }
0xb6: {  	_ =	sfence  }
0xb7: {  	s30 =	sld [smem:$0x0];
	_ =	sdelay $0x2  }
0xb8: {  	s31 =	sshll.u32 s1, $0xD;
	s1 =	sshrl.u32 s1, $0x2  }
0xb9: {  	s3 =	sand.u32 $0x4000, s31;
	s1 =	sadd.s32 s1, s30  }
0xba: {  	s0 =	sor.u32 s3, s0;
	s1 =	sshll.u32 s1, $0x11  }
0xbb: {  	s0 =	sor.u32 s1, s0  }
0xbc: {  	s0 =	sadd.s32 $0x8F2B, s0  }
0xbd: {  	[sflag:s0] =	ssyncadd.remote.s32 $0x1  }
0xbe: {  	_ =	sfence.sel $0xFFFF  }
0xbf: {  	[dreg:$0x0] =	wrdreg $0xFFFFFFFF;
	(pc) =	sbr.abs _section_cstart, $3  }
0xc0: {  	[dreg:$0x1] =	wrdreg $0xFFFFFFFF  }
0xc1: {  	_ =	task.clear_ibuf [dreg:s7], $0x2FFFF;
	_ =	strace $0x9FFFFFFF  }
0xc2: {  	(tm) =	ssettm $0x7FFFFFFF  }
0xc3: {  	_ =	shalt  }
tec
execute0_lowered:
.L_overlay_start_1:
0x0: {  	(tag) =	ssettag $0x1  }
0x1: {  	s1 =	srdreg.scid  }
0x2: {  	s0 =	stileid.u32;
	s6 =	rddreg [dreg:$0x0]  }
0x3: {  	s4 =	rddreg [dreg:$0x1];
	s18 =	simm.s32 $0x880;
	s19 =	simm.s32 $0x1080  }
0x4: {  	s20 =	simm.s32 $0x1880;
	s22 =	simm.s32 $0x2080;
	s23 =	simm.s32 $0x2880  }
0x5: {  	s7 =	simm.s32 $0x3080;
	s24 =	simm.s32 $0x3880;
	s8 =	simm.s32 $0x4080  }
0x6: {  	s25 =	simm.s32 $0x4880;
	s26 =	simm.s32 $0x5080;
	s1 =	sand.u32 $0x1, s1  }
0x7: {  	s9 =	simm.s32 $0x80;
	s2 =	sshll.u32 s0, $0x7;
	s3 =	sshll.u32 s1, $0x6  }
0x8: {  	s11 =	simm.s32 $0x6080;
	s3 =	sor.u32 s3, s2;
	s2 =	simm.s32 $0x0  }
0x9: {  	s12 =	simm.s32 $0x6880;
	s13 =	simm.s32 $0x7080;
	[smem:$0x7FF] =	sst s2  }
0xa: {  	s14 =	simm.s32 $0x7880;
	_ =	strace $0x8000004A;
	[dreg:$0x5] =	wrdreg s18  }
0xb: {  	s15 =	simm.s32 $0x8080;
	s16 =	simm.s32 $0x8880;
	[dreg:$0x6] =	wrdreg s19  }
0xc: {  	s17 =	simm.s32 $0x9080;
	s28 =	simm.s32 $0xE080;
	[dreg:$0x7] =	wrdreg s20  }
0xd: {  	s29 =	simm.s32 $0xE880;
	s30 =	simm.s32 $0xF080;
	[dreg:$0x8] =	wrdreg s22  }
0xe: {  	s31 =	simm.s32 $0xF880;
	s1 =	ssub.s32 $0x2, s1;
	[dreg:$0x9] =	wrdreg s23  }
0xf: {  	s21 =	sshrl.u32 s1, $0x1;
	s5 =	sshrl.u32 s3, $0x3;
	[dreg:$0xa] =	wrdreg s7  }
0x10: {  	s3 =	sshll.u32 s3, $0x7;
	s1 =	ssub.s32 s1, s21;
	[dreg:$0xb] =	wrdreg s24  }
0x11: {  	s21 =	simm.s32 $0xB080;
	s5 =	sadd.s32 s5, s6;
	[dreg:$0xc] =	wrdreg s8  }
0x12: {  	s3 =	sadd.s32 s4, s3;
	s4 =	sadd.s32 $0x2500, s6;
	[dreg:$0xd] =	wrdreg s25  }
0x13: {  	s7 =	smax.u32 s1, $0x1;
	s8 =	simm.s32 $0x2;
	[dreg:$0xe] =	wrdreg s26  }
0x14: {  	s18 =	simm.s32 $0x9880;
	s19 =	simm.s32 $0xA080;
	s20 =	simm.s32 $0xA880  }
0x15: {  	s22 =	simm.s32 $0xB880;
	s23 =	simm.s32 $0xC080;
	s24 =	simm.s32 $0xC880  }
0x16: {  	v2 =	vlaneseq.u32;
	s25 =	simm.s32 $0xD080;
	s26 =	simm.s32 $0xD880;
	s1 =	simm.s32 $0x1  }
0x17: {  	vm0 =	vmmov $0xffff;
	v1 =	vshrl.u32 v2, $0x3;
	s5 =	sadd.s32 $0x2200, s5;
	[dreg:$0x4] =	wrdreg s3;
	s3 =	sadd.s32 $0x2400, s6  }
0x18: {  	v0 =	vand.u32 $0x7, v2;
	v2 =	vor.u32 $0x8, v2;
	v1 =	vmul.u32 $0x8, v1;
	[dreg:$0x3] =	wrdreg s5;
	s5 =	sadd.s32 $0x2600, s6;
	s6 =	sadd.s32 $0x2700, s6  }
.LBB2_1:
0x19: {  	s0 =	rddreg [dreg:$0x3]  }
0x1a: {  	[tilespmem:s2], [sflag:$0x2] =	stream.linear.gather [hbm4b:s0+s2], $0x40, $0x38;
	[tilespmem:$0x10080] =	vst v63  }
0x1b: {  	_ =	swait.ge [sflag:s8], $0x40  }
0x1c: {  	[sflag:s8] =	ssyncset.done $0x0  }
0x1d: {  	[sflag:s8] =	ssyncadd.s32 $0xFFFFFFC0  }
0x1e: {  	v3 =	vld [tilespmem:$0x0];
	_ =	sdelay $0x4  }
0x1f: {  	v4 =	vshll.u32 v3, $0x3  }
0x20: {  	v3 =	vand.u32 $0x7, v3;
	v4 =	vand.u32 $0xFFFFFFC0, v4  }
0x21: {  	v3 =	vor.u32 v3, v4  }
0x22: {  	v4 =	vperm.xlane v3, v0;
	_ =	sdelay $0x1  }
0x23: {  	v4 =	vadd.s32 v1, v4;
	_ =	sdelay $0x4  }
0x24: {  	[tilespmem:s9], [sflag:$0x1] =	stream.indirect_vreg.gather [hbm4b:s3+s2], $0x80, v4, vm0, $0xb8;
	[tilespmem:$0x10080] =	vst v63  }
0x25: {  	s0 =	rddreg [dreg:$0x5];
	v3 =	vperm.xlane v3, v2  }
0x26: {  	[tilespmem:s0], [sflag:$0x1] =	stream.indirect_vreg.gather [hbm4b:s4+s2], $0x80, v4, vm0, $0xb8;
	[tilespmem:$0x10080] =	vst v63  }
0x27: {  	s10 =	rddreg [dreg:$0x6];
	v3 =	vadd.s32 v1, v3  }
0x28: {  	[tilespmem:s10], [sflag:$0x1] =	stream.indirect_vreg.gather [hbm4b:s5+s2], $0x80, v4, vm0, $0xb8;
	[tilespmem:$0x10080] =	vst v63  }
0x29: {  	s0 =	rddreg [dreg:$0x7]  }
0x2a: {  	[tilespmem:s0], [sflag:$0x1] =	stream.indirect_vreg.gather [hbm4b:s6+s2], $0x80, v4, vm0, $0xb8;
	[tilespmem:$0x10080] =	vst v63  }
0x2b: {  	s10 =	rddreg [dreg:$0x8]  }
0x2c: {  	[tilespmem:s10], [sflag:$0x1] =	stream.indirect_vreg.gather [hbm4b:s3+s2], $0x80, v3, vm0, $0xb8;
	[tilespmem:$0x10080] =	vst v63  }
0x2d: {  	s0 =	rddreg [dreg:$0x9]  }
0x2e: {  	[tilespmem:s0], [sflag:$0x1] =	stream.indirect_vreg.gather [hbm4b:s4+s2], $0x80, v3, vm0, $0xb8;
	[tilespmem:$0x10080] =	vst v63  }
0x2f: {  	s10 =	rddreg [dreg:$0xa]  }
0x30: {  	[tilespmem:s10], [sflag:$0x1] =	stream.indirect_vreg.gather [hbm4b:s5+s2], $0x80, v3, vm0, $0xb8;
	[tilespmem:$0x10080] =	vst v63  }
0x31: {  	s0 =	rddreg [dreg:$0xb]  }
0x32: {  	[tilespmem:s0], [sflag:$0x1] =	stream.indirect_vreg.gather [hbm4b:s6+s2], $0x80, v3, vm0, $0xb8;
	[tilespmem:$0x10080] =	vst v63  }
0x33: {  	v3 =	vld [tilespmem:$0x10];
	_ =	sdelay $0x4  }
0x34: {  	v61 =	vshll.u32 v3, $0x3  }
0x35: {  	v3 =	vand.u32 $0x7, v3;
	v4 =	vand.u32 $0xFFFFFFC0, v61  }
0x36: {  	v3 =	vor.u32 v3, v4  }
0x37: {  	v4 =	vperm.xlane v3, v0;
	_ =	sdelay $0x1  }
0x38: {  	v4 =	vadd.s32 v1, v4;
	_ =	sdelay $0x3  }
0x39: {  	s0 =	rddreg [dreg:$0xc]  }
0x3a: {  	[tilespmem:s0], [sflag:$0x1] =	stream.indirect_vreg.gather [hbm4b:s3+s2], $0x80, v4, vm0, $0xb8;
	[tilespmem:$0x10080] =	vst v63  }
0x3b: {  	s10 =	rddreg [dreg:$0xd];
	v3 =	vperm.xlane v3, v2  }
0x3c: {  	[tilespmem:s10], [sflag:$0x1] =	stream.indirect_vreg.gather [hbm4b:s4+s2], $0x80, v4, vm0, $0xb8;
	[tilespmem:$0x10080] =	vst v63  }
0x3d: {  	v3 =	vadd.s32 v1, v3;
	s0 =	rddreg [dreg:$0xe]  }
0x3e: {  	[tilespmem:s0], [sflag:$0x1] =	stream.indirect_vreg.gather [hbm4b:s5+s2], $0x80, v4, vm0, $0xb8;
	[tilespmem:$0x10080] =	vst v63  }
0x3f: {  	s10 =	simm.s32 $0x5880  }
0x40: {  	[tilespmem:s10], [sflag:$0x1] =	stream.indirect_vreg.gather [hbm4b:s6+s2], $0x80, v4, vm0, $0xb8;
	[tilespmem:$0x10080] =	vst v63  }
0x41: {  	_ = 	snop  }
0x42: {  	[tilespmem:s11], [sflag:$0x1] =	stream.indirect_vreg.gather [hbm4b:s3+s2], $0x80, v3, vm0, $0xb8;
	[tilespmem:$0x10080] =	vst v63  }
0x43: {  	_ = 	snop  }
0x44: {  	[tilespmem:s12], [sflag:$0x1] =	stream.indirect_vreg.gather [hbm4b:s4+s2], $0x80, v3, vm0, $0xb8;
	[tilespmem:$0x10080] =	vst v63  }
0x45: {  	_ = 	snop  }
0x46: {  	[tilespmem:s13], [sflag:$0x1] =	stream.indirect_vreg.gather [hbm4b:s5+s2], $0x80, v3, vm0, $0xb8;
	[tilespmem:$0x10080] =	vst v63  }
0x47: {  	_ = 	snop  }
0x48: {  	[tilespmem:s14], [sflag:$0x1] =	stream.indirect_vreg.gather [hbm4b:s6+s2], $0x80, v3, vm0, $0xb8;
	[tilespmem:$0x10080] =	vst v63  }
0x49: {  	v3 =	vld [tilespmem:$0x20];
	_ =	sdelay $0x4  }
0x4a: {  	v62 =	vshll.u32 v3, $0x3  }
0x4b: {  	v3 =	vand.u32 $0x7, v3;
	v4 =	vand.u32 $0xFFFFFFC0, v62  }
0x4c: {  	v3 =	vor.u32 v3, v4  }
0x4d: {  	v4 =	vperm.xlane v3, v0;
	_ =	sdelay $0x1  }
0x4e: {  	v4 =	vadd.s32 v1, v4;
	_ =	sdelay $0x4  }
0x4f: {  	[tilespmem:s15], [sflag:$0x1] =	stream.indirect_vreg.gather [hbm4b:s3+s2], $0x80, v4, vm0, $0xb8;
	[tilespmem:$0x10080] =	vst v63  }
0x50: {  	v3 =	vperm.xlane v3, v2  }
0x51: {  	[tilespmem:s16], [sflag:$0x1] =	stream.indirect_vreg.gather [hbm4b:s4+s2], $0x80, v4, vm0, $0xb8;
	[tilespmem:$0x10080] =	vst v63  }
0x52: {  	v3 =	vadd.s32 v1, v3  }
0x53: {  	[tilespmem:s17], [sflag:$0x1] =	stream.indirect_vreg.gather [hbm4b:s5+s2], $0x80, v4, vm0, $0xb8;
	[tilespmem:$0x10080] =	vst v63  }
0x54: {  	_ = 	snop  }
0x55: {  	[tilespmem:s18], [sflag:$0x1] =	stream.indirect_vreg.gather [hbm4b:s6+s2], $0x80, v4, vm0, $0xb8;
	[tilespmem:$0x10080] =	vst v63  }
0x56: {  	_ = 	snop  }
0x57: {  	[tilespmem:s19], [sflag:$0x1] =	stream.indirect_vreg.gather [hbm4b:s3+s2], $0x80, v3, vm0, $0xb8;
	[tilespmem:$0x10080] =	vst v63  }
0x58: {  	_ = 	snop  }
0x59: {  	[tilespmem:s20], [sflag:$0x1] =	stream.indirect_vreg.gather [hbm4b:s4+s2], $0x80, v3, vm0, $0xb8;
	[tilespmem:$0x10080] =	vst v63  }
0x5a: {  	_ = 	snop  }
0x5b: {  	[tilespmem:s21], [sflag:$0x1] =	stream.indirect_vreg.gather [hbm4b:s5+s2], $0x80, v3, vm0, $0xb8;
	[tilespmem:$0x10080] =	vst v63  }
0x5c: {  	_ = 	snop  }
0x5d: {  	[tilespmem:s22], [sflag:$0x1] =	stream.indirect_vreg.gather [hbm4b:s6+s2], $0x80, v3, vm0, $0xb8;
	[tilespmem:$0x10080] =	vst v63  }
0x5e: {  	v3 =	vld [tilespmem:$0x30];
	_ =	sdelay $0x4  }
0x5f: {  	v63 =	vshll.u32 v3, $0x3  }
0x60: {  	v3 =	vand.u32 $0x7, v3;
	v4 =	vand.u32 $0xFFFFFFC0, v63  }
0x61: {  	v3 =	vor.u32 v3, v4  }
0x62: {  	v4 =	vperm.xlane v3, v0;
	_ =	sdelay $0x1  }
0x63: {  	v4 =	vadd.s32 v1, v4;
	_ =	sdelay $0x4  }
0x64: {  	[tilespmem:s23], [sflag:$0x1] =	stream.indirect_vreg.gather [hbm4b:s3+s2], $0x80, v4, vm0, $0xb8;
	[tilespmem:$0x10080] =	vst v63  }
0x65: {  	v3 =	vperm.xlane v3, v2  }
0x66: {  	[tilespmem:s24], [sflag:$0x1] =	stream.indirect_vreg.gather [hbm4b:s4+s2], $0x80, v4, vm0, $0xb8;
	[tilespmem:$0x10080] =	vst v63  }
0x67: {  	v3 =	vadd.s32 v1, v3  }
0x68: {  	[tilespmem:s25], [sflag:$0x1] =	stream.indirect_vreg.gather [hbm4b:s5+s2], $0x80, v4, vm0, $0xb8;
	[tilespmem:$0x10080] =	vst v63  }
0x69: {  	_ = 	snop  }
0x6a: {  	[tilespmem:s26], [sflag:$0x1] =	stream.indirect_vreg.gather [hbm4b:s6+s2], $0x80, v4, vm0, $0xb8;
	[tilespmem:$0x10080] =	vst v63  }
0x6b: {  	_ = 	snop  }
0x6c: {  	[tilespmem:s28], [sflag:$0x1] =	stream.indirect_vreg.gather [hbm4b:s3+s2], $0x80, v3, vm0, $0xb8;
	[tilespmem:$0x10080] =	vst v63  }
0x6d: {  	_ = 	snop  }
0x6e: {  	[tilespmem:s29], [sflag:$0x1] =	stream.indirect_vreg.gather [hbm4b:s4+s2], $0x80, v3, vm0, $0xb8;
	[tilespmem:$0x10080] =	vst v63  }
0x6f: {  	_ = 	snop  }
0x70: {  	[tilespmem:s30], [sflag:$0x1] =	stream.indirect_vreg.gather [hbm4b:s5+s2], $0x80, v3, vm0, $0xb8;
	[tilespmem:$0x10080] =	vst v63  }
0x71: {  	_ = 	snop  }
0x72: {  	[tilespmem:s31], [sflag:$0x1] =	stream.indirect_vreg.gather [hbm4b:s6+s2], $0x80, v3, vm0, $0xb8;
	[tilespmem:$0x10080] =	vst v63  }
0x73: {  	_ =	swait.ge [sflag:s1], $0x10000  }
0x74: {  	p0 =	sne.s32 s7, $0x1;
	[sflag:s1] =	ssyncset.done $0x0  }
.Ltmp0:
0x75: {  	s10 =	rddreg [dreg:$0x4];
	[sflag:s1] =	ssyncadd.s32 $0xFFFF0000;
	(pc) =	sbr.rel @p0 .LBB2_1-.Ltmp0, $4  }
0x76: {  	[hbm4b:s10+s2] =	stream.linear.scatter [tilespmem:s9], [sflag:$0x2], $0x10000, $0x38;
	[tilespmem:$0x10080] =	vst v63  }
0x77: {  	_ =	swait.ge [sflag:s8], $0x10000  }
0x78: {  	[sflag:s8] =	ssyncset.done $0x0  }
0x79: {  	s7 =	sadd.s32 $0xFFFFFFFF, s7;
	[sflag:s8] =	ssyncadd.s32 $0xFFFF0000  }
0x7a: {  	_ =	sfence.sel $0x180000  }
0x7b: {  	[bflag:$0x0] =	sbarrier.arrive $0xFFFF  }
0x7c: {  	_ =	strace $0x9000004A  }
0x7d: {  	s0 =	stileid.u32;
	[bflag:$0x2] =	sbarrier.arrive $0xFFFF  }
0x7e: {  	p0 =	sne.s32 s0, $0x0;
	s0 =	rddreg [dreg:$0x2]  }
0x7f: {  	s0 =	sadd.s32 @!p0 $0x100000, s0  }
0x80: {  	[sflag:s0] =	ssyncadd.tile.s32 @!p0 $0x1;
	_ =	shalt  }
.Lfunc_end2:
_tile_overlayer_lowered:
.L_overlay_start_2:
0x81: {  	(tag) =	ssettag $0x2  }
0x82: {  	s0 =	rddreg [dreg:$0x0];
	s2 =	stileid.u32  }
0x83: {  	s1 =	rddreg [dreg:$0x1];
	p0 =	sne.s32 s2, $0x0  }
0x84: {  	s3 =	rddreg [dreg:$0x2];
	[bflag:$0x3] =	sbarrier.arrive $0xFFFF;
	s2 =	simm.s32 @!p0 $0x1C02  }
0x85: {  	[timem:s3], [sflag:s2] =	dma.local @!p0 [hbm:s0], s1  }
0x86: {  	s0 =	simm.s32 @!p0 $0x2  }
0x87: {  	_ =	swait.ge @!p0 [sflag:s0], s1  }
0x88: {  	s1 =	ssub.s32 @!p0 $0x0, s1;
	[sflag:s0] =	ssyncset.done @!p0 $0x0  }
0x89: {  	[sflag:s0] =	ssyncadd.s32 @!p0 s1  }
0x8a: {  	[bflag:$0x3] =	sbarrier.arrive $0xFFFF  }
0x8b: {  	_ =	shalt  }

// kernel: kernel.8.cloned.1.call-start
scs
__scs_entry_jumppad:
0x0: {  	(pc) =	sbr.rel $0x88, $3  }
0x1: {  	(tag) =	ssettag $0x0;
	lr =	simm.s32 $0x1  }
0x2: {  	[smem:$0x3F9B] =	sst lr;
	_ =	strace $0xD0000000  }
0x3: {  	_ = 	snop  }
0x4: {  	_ = 	snop  }
0x5: {  	_ = 	snop  }
0x6: {  	_ = 	snop  }
0x7: {  	_ = 	snop  }
__scs_overlays_trampoline_lowered:
0x8: {  	[smem:$0x3FAA] =	sst s0  }
0x9: {  	[smem:$0x3FAB] =	sst s1  }
0xa: {  	[smem:$0x3FAC] =	sst s2  }
0xb: {  	[smem:$0x3FAD] =	sst s3  }
0xc: {  	[smem:$0x3FAE] =	sst s4  }
0xd: {  	[smem:$0x3FAF] =	sst s5  }
0xe: {  	[smem:$0x3FB0] =	sst s6  }
0xf: {  	[smem:$0x3FB1] =	sst s7  }
0x10: {  	[smem:$0x3FB2] =	sst s8  }
0x11: {  	[smem:$0x3FB3] =	sst s9;
	s0 =	simm.s32 @!p0 $0x0  }
0x12: {  	s1 =	sld [smem:$0x3F99];
	s0 =	simm.s32 @p0 $0x1  }
0x13: {  	[smem:$0x3FB4] =	sst s0;
	s0 =	simm.s32 @!p1 $0x0  }
0x14: {  	s2 =	sld [smem:$0x3F98];
	s0 =	simm.s32 @p1 $0x1  }
0x15: {  	[smem:$0x3FB5] =	sst s0;
	s0 =	simm.s32 @!p2 $0x0  }
0x16: {  	s3 =	sld [smem:$0x3FDB];
	s0 =	simm.s32 @p2 $0x1  }
0x17: {  	s4 =	simm.s32 $0x1BF5;
	[smem:$0x3FB7] =	sst s0  }
0x18: {  	s0 =	sld [smem:$0x3F9A];
	_ =	swait.ge [sflag:s4], $0x0  }
0x19: {  	s7 =	sld [smem:$0x3F9B]  }
0x1a: {  	s8 =	sadd.s32 $0xFFFFE003, lr  }
0x1b: {  	s9 =	sadd.s32 $0xFFFFFEF7, lr;
	s5 =	simm.s32 $0xFFFFFFFF;
	p2 =	slt.u32 s8, $0xFFFFF086  }
0x1c: {  	p1 =	slt.u32 s9, $0xF7A;
	s5 =	simm.s32 @!p2 $0x0  }
0x1d: {  	s5 =	simm.s32 @p1 $0x1;
	p0 =	seq.s32 s7, s2  }
0x1e: {  	s7 =	smul.u32 @!p0 $0xF7A, s2;
	p2 =	seq.s32 @!p0 s5, $0x0  }
0x1f: {  	s9 =	smul.u32 $0xF7A, s1;
	s8 =	simm.s32 @!p0 $0x1BF5;
	p2 =	por !p2, p0  }
0x20: {  	[sflag:s8] =	ssyncset.s32 @!p0 $0xFFFFF086;
	s6 =	sadd.s32 @!p0 s3, s7;
	s7 =	simm.s32 @!p0 $0x108  }
0x21: {  	s3 =	sadd.s32 s3, s9;
	s6 =	sadd.s32 @!p0 $0x88, s6;
	s7 =	simm.s32 @p2 $0x1082  }
0x22: {  	[simem:s7], [sflag:s8] =	dma.local @!p0 [hbm:s6], $0xF7A  }
0x23: {  	s9 =	sor.u32 $0xD0000000, s2;
	s6 =	simm.s32 $0x108;
	_ =	swait.ge @!p0 [sflag:s8], $0x0  }
0x24: {  	s3 =	sadd.s32 $0x88, s3;
	s6 =	simm.s32 @!p1 $0x1082;
	[sflag:s4] =	ssyncset.s32 $0xFFFFF086  }
0x25: {  	[simem:s6], [sflag:s4] =	dma.local [hbm:s3], $0xF7A  }
0x26: {  	[smem:$0x3F9B] =	sst s1;
	(tag) =	ssettag s2;
	_ =	strace s9  }
0x27: {  	s1 =	sld [smem:$0x3FAB]  }
0x28: {  	s2 =	sld [smem:$0x3FAC]  }
0x29: {  	s4 =	sld [smem:$0x3FAE]  }
0x2a: {  	p0 =	seq.s32 s5, $0x0;
	s5 =	sld [smem:$0x3FAF]  }
0x2b: {  	s6 =	sld [smem:$0x3FB0]  }
0x2c: {  	s7 =	sld [smem:$0x3FB1]  }
0x2d: {  	s3 =	simm.s32 $0x108;
	s8 =	sld [smem:$0x3FB2]  }
0x2e: {  	s3 =	simm.s32 @!p0 $0x1082;
	s9 =	sld [smem:$0x3FB3]  }
0x2f: {  	lr =	sadd.s32 s0, s3;
	s0 =	sld [smem:$0x3FAA]  }
0x30: {  	s3 =	sld [smem:$0x3FAD]  }
0x31: {  	[smem:$0x3FB6] =	sst s10  }
0x32: {  	s10 =	sld [smem:$0x3FB4];
	_ =	sdelay $0x3  }
0x33: {  	p0 =	seq.s32 s10, $0x1;
	s10 =	sld [smem:$0x3FB6];
	_ =	sdelay $0x3  }
0x34: {  	[smem:$0x3FB6] =	sst s10  }
0x35: {  	s10 =	sld [smem:$0x3FB5];
	_ =	sdelay $0x3  }
0x36: {  	p1 =	seq.s32 s10, $0x1;
	s10 =	sld [smem:$0x3FB6];
	_ =	sdelay $0x3  }
0x37: {  	[smem:$0x3FB6] =	sst s10  }
0x38: {  	s10 =	sld [smem:$0x3FB7]  }
0x39: {  	_ = 	snop;
	(pc) =	sbr.ind lr, $3  }
0x3a: {  	_ = 	snop  }
0x3b: {  	_ = 	snop  }
0x3c: {  	p2 =	seq.s32 s10, $0x1;
	s10 =	sld [smem:$0x3FB6]  }
0x3d: {  	_ =	shalt  }
0x3e: {  	_ =	shalt  }
0x3f: {  	_ =	shalt  }
0x40: {  	_ =	shalt  }
0x41: {  	_ =	shalt  }
0x42: {  	_ =	shalt  }
0x43: {  	_ =	shalt  }
0x44: {  	_ =	shalt  }
0x45: {  	_ =	shalt  }
0x46: {  	_ =	shalt  }
0x47: {  	_ =	shalt  }
0x48: {  	_ =	shalt  }
0x49: {  	_ =	shalt  }
0x4a: {  	_ =	shalt  }
0x4b: {  	_ =	shalt  }
0x4c: {  	_ =	shalt  }
0x4d: {  	_ =	shalt  }
0x4e: {  	_ =	shalt  }
0x4f: {  	_ =	shalt  }
0x50: {  	_ =	shalt  }
0x51: {  	_ =	shalt  }
0x52: {  	_ =	shalt  }
0x53: {  	_ =	shalt  }
0x54: {  	_ =	shalt  }
0x55: {  	_ =	shalt  }
0x56: {  	_ =	shalt  }
0x57: {  	_ =	shalt  }
0x58: {  	_ =	shalt  }
0x59: {  	_ =	shalt  }
0x5a: {  	_ =	shalt  }
0x5b: {  	_ =	shalt  }
0x5c: {  	_ =	shalt  }
0x5d: {  	_ =	shalt  }
0x5e: {  	_ =	shalt  }
0x5f: {  	_ =	shalt  }
0x60: {  	_ =	shalt  }
0x61: {  	_ =	shalt  }
0x62: {  	_ =	shalt  }
0x63: {  	_ =	shalt  }
0x64: {  	_ =	shalt  }
0x65: {  	_ =	shalt  }
0x66: {  	_ =	shalt  }
0x67: {  	_ =	shalt  }
0x68: {  	_ =	shalt  }
0x69: {  	_ =	shalt  }
0x6a: {  	_ =	shalt  }
0x6b: {  	_ =	shalt  }
0x6c: {  	_ =	shalt  }
0x6d: {  	_ =	shalt  }
0x6e: {  	_ =	shalt  }
0x6f: {  	_ =	shalt  }
0x70: {  	_ =	shalt  }
0x71: {  	_ =	shalt  }
0x72: {  	_ =	shalt  }
0x73: {  	_ =	shalt  }
0x74: {  	_ =	shalt  }
0x75: {  	_ =	shalt  }
0x76: {  	_ =	shalt  }
0x77: {  	_ =	shalt  }
0x78: {  	_ =	shalt  }
0x79: {  	_ =	shalt  }
0x7a: {  	_ =	shalt  }
0x7b: {  	_ =	shalt  }
0x7c: {  	_ =	shalt  }
0x7d: {  	_ =	shalt  }
0x7e: {  	_ =	shalt  }
0x7f: {  	_ =	shalt  }
0x80: {  	_ =	shalt  }
0x81: {  	_ =	shalt  }
0x82: {  	_ =	shalt  }
0x83: {  	_ =	shalt  }
0x84: {  	_ =	shalt  }
0x85: {  	_ =	shalt  }
0x86: {  	_ =	shalt  }
0x87: {  	_ =	shalt  }
.Lfunc_end0:
.L_simem_size_0:
called_computation_lowered:
.L_overlay_start_0:
0x88: {  	s2 =	sld [smem:$0x3FD9]  }
0x89: {  	s3 =	sld [smem:$0x3FFE];
	_ =	sdelay $0x1  }
0x8a: {  	s1 =	srdreg.scid  }
0x8b: {  	s0 =	sand.u32 $0x1, s1  }
0x8c: {  	s17 =	sshll.u32 s0, $0xA;
	s2 =	sadd.s32 s3, s2  }
0x8d: {  	s2 =	sadd.s32 s2, s17  }
0x8e: {  	[smem:$0x3FC2] =	sst s2  }
0x8f: {  	_ = 	snop  }
0x90: {  	s2 =	sld [smem:$0x3FC9]  }
0x91: {  	s18 =	sld [smem:$0x3FD0];
	(tm) =	ssettm $0x1  }
0x92: {  	s4 =	sld [smem:$0x3FFB];
	_ =	sdelay $0x3  }
0x93: {  	_ =	strace s4  }
0x94: {  	s4 =	sld [smem:$0x3FFC];
	_ =	sdelay $0x3  }
0x95: {  	_ =	strace s4  }
0x96: {  	s4 =	sld [smem:$0x3FFD];
	_ =	sdelay $0x3  }
0x97: {  	_ =	strace s4  }
0x98: {  	_ =	strace $0x8FFFFFFF  }
0x99: {  	s19 =	sld [smem:$0x3FDB];
	_ =	sdelay $0x1  }
0x9a: {  	s5 =	simm.s32 $_scs_section_size  }
0x9b: {  	s6 =	simm.s32 $_size__tile_overlayer_lowered;
	s7 =	simm.s32 $_tile_overlayer_lowered  }
0x9c: {  	s22 =	simm.s32 $0x1BFF;
	s21 =	sshll.u32 s7, $0x1;
	s4 =	sadd.s32 s5, s19  }
0x9d: {  	s8 =	simm.s32 $0x0;
	s20 =	sshll.u32 s6, $0x1;
	s6 =	sadd.s32 s21, s4  }
0x9e: {  	[timem:s8], [sflag:s22] =	dma.local [hbm:s6], s20  }
0x9f: {  	_ =	swait.ge [sflag:s22], s20  }
0xa0: {  	s5 =	ssub.s32 $0x0, s20;
	[sflag:s22] =	ssyncset.done $0x0  }
0xa1: {  	[sflag:s22] =	ssyncadd.s32 s5;
	_ =	sdelay $0x1  }
0xa2: {  	s23 =	simm.s32 $0x1B8B  }
0xa3: {  	_ =	swait.ge [sflag:s23], $0x1  }
0xa4: {  	[sflag:s23] =	ssyncset.done $0x0  }
0xa5: {  	s25 =	simm.s32 $0x1B8E;
	s24 =	sld [smem:$0x3FFE];
	[sflag:s23] =	ssyncadd.s32 $0xFFFFFFFF  }
0xa6: {  	s26 =	simm.s32 $execute0_lowered;
	[smem:$0x3FD2] =	sst s25  }
0xa7: {  	s6 =	sshll.u32 s26, $0x1;
	_ =	strace $0x80000046;
	[dreg:$0x1] =	wrdreg $0xFFFFFFFF  }
0xa8: {  	s28 =	simm.s32 $_size_execute0_lowered;
	s4 =	sadd.s32 s4, s6;
	[dreg:$0x0] =	wrdreg $0x0  }
0xa9: {  	s6 =	sshll.u32 s28, $0x1;
	[dreg:$0x2] =	wrdreg s4  }
0xaa: {  	[dreg:$0x3] =	wrdreg s6  }
0xab: {  	[dreg:$0x4] =	wrdreg $0xC0  }
0xac: {  	_ =	task [dreg:s8], $0x5FFFF  }
0xad: {  	[dreg:$0x1] =	wrdreg $0xFFFFFFFF  }
0xae: {  	[dreg:$0x0] =	wrdreg $0x60  }
0xaf: {  	[dreg:$0x2] =	wrdreg s2  }
0xb0: {  	[dreg:$0x3] =	wrdreg s24  }
0xb1: {  	[dreg:$0x4] =	wrdreg s18  }
0xb2: {  	[dreg:$0x5] =	wrdreg $0x9  }
0xb3: {  	_ =	task.clear_ibuf [dreg:s8], $0x6FFFF;
	_ =	strace $0x90000046  }
0xb4: {  	s29 =	simm.s32 $0x9;
	_ =	strace $0x80000048  }
0xb5: {  	_ =	swait.ge [sflag:s29], $0x1  }
0xb6: {  	[sflag:s29] =	ssyncadd.s32 $0xFFFFFFFF  }
0xb7: {  	_ =	strace $0x90000048  }
0xb8: {  	_ =	sfence  }
0xb9: {  	s30 =	sld [smem:$0x0];
	_ =	sdelay $0x2  }
0xba: {  	s31 =	sshll.u32 s1, $0xD;
	s1 =	sshrl.u32 s1, $0x2  }
0xbb: {  	s3 =	sand.u32 $0x4000, s31;
	s1 =	sadd.s32 s1, s30  }
0xbc: {  	s0 =	sor.u32 s3, s0;
	s1 =	sshll.u32 s1, $0x11  }
0xbd: {  	s0 =	sor.u32 s1, s0  }
0xbe: {  	s0 =	sadd.s32 $0x8F2B, s0  }
0xbf: {  	[sflag:s0] =	ssyncadd.remote.s32 $0x1  }
0xc0: {  	_ =	sfence.sel $0xFFFF  }
0xc1: {  	[dreg:$0x0] =	wrdreg $0xFFFFFFFF;
	(pc) =	sbr.abs _section_cstart, $3  }
0xc2: {  	[dreg:$0x1] =	wrdreg $0xFFFFFFFF  }
0xc3: {  	_ =	task.clear_ibuf [dreg:s8], $0x2FFFF;
	_ =	strace $0x9FFFFFFF  }
0xc4: {  	(tm) =	ssettm $0x7FFFFFFF  }
0xc5: {  	_ =	shalt  }
tec
execute0_lowered:
.L_overlay_start_1:
0x0: {  	(tag) =	ssettag $0x1  }
0x1: {  	s4 =	rddreg [dreg:$0x0]  }
0x2: {  	s1 =	srdreg.scid;
	s5 =	rddreg [dreg:$0x1]  }
0x3: {  	s0 =	stileid.u32;
	s2 =	rddreg [dreg:$0x2];
	s17 =	simm.s32 $0x880  }
0x4: {  	s18 =	simm.s32 $0x1080;
	s19 =	simm.s32 $0x1880;
	s21 =	simm.s32 $0x2080  }
0x5: {  	s22 =	simm.s32 $0x2880;
	s23 =	simm.s32 $0x3080;
	s24 =	simm.s32 $0x3880  }
0x6: {  	s8 =	simm.s32 $0x4080;
	s25 =	simm.s32 $0x4880;
	s1 =	sand.u32 $0x1, s1  }
0x7: {  	s26 =	simm.s32 $0x5080;
	s3 =	sshll.u32 s0, $0x7;
	s6 =	sshll.u32 s1, $0x6  }
0x8: {  	s9 =	simm.s32 $0x80;
	s6 =	sor.u32 s6, s3;
	s3 =	simm.s32 $0x0  }
0x9: {  	s11 =	simm.s32 $0x6080;
	s12 =	simm.s32 $0x6880;
	[smem:$0x7FF] =	sst s3  }
0xa: {  	s13 =	simm.s32 $0x7080;
	_ =	strace $0x80000047;
	[dreg:$0x6] =	wrdreg s17  }
0xb: {  	s14 =	simm.s32 $0x7880;
	s15 =	simm.s32 $0x8080;
	[dreg:$0x7] =	wrdreg s18  }
0xc: {  	s16 =	simm.s32 $0x8880;
	s28 =	simm.s32 $0xE080;
	[dreg:$0x8] =	wrdreg s19  }
0xd: {  	s29 =	simm.s32 $0xE880;
	s30 =	simm.s32 $0xF080;
	[dreg:$0x9] =	wrdreg s21  }
0xe: {  	s31 =	simm.s32 $0xF880;
	s1 =	ssub.s32 $0x2, s1;
	[dreg:$0xa] =	wrdreg s22  }
0xf: {  	s20 =	sshrl.u32 s1, $0x1;
	s7 =	sshrl.u32 s6, $0x3;
	[dreg:$0xb] =	wrdreg s23  }
0x10: {  	s6 =	sshll.u32 s6, $0x7;
	s1 =	ssub.s32 s1, s20;
	[dreg:$0xc] =	wrdreg s24  }
0x11: {  	s20 =	simm.s32 $0xA880;
	s5 =	sadd.s32 s7, s5;
	[dreg:$0xd] =	wrdreg s8  }
0x12: {  	s4 =	sadd.s32 s4, s6;
	s6 =	sadd.s32 $0x300, s2;
	[dreg:$0xe] =	wrdreg s25  }
0x13: {  	s7 =	smax.u32 s1, $0x1;
	s8 =	simm.s32 $0x2;
	[dreg:$0xf] =	wrdreg s26  }
0x14: {  	s17 =	simm.s32 $0x9080;
	s18 =	simm.s32 $0x9880;
	s19 =	simm.s32 $0xA080  }
0x15: {  	s21 =	simm.s32 $0xB080;
	s22 =	simm.s32 $0xB880;
	s23 =	simm.s32 $0xC080  }
0x16: {  	v2 =	vlaneseq.u32;
	s24 =	simm.s32 $0xC880;
	s25 =	simm.s32 $0xD080;
	s26 =	simm.s32 $0xD880  }
0x17: {  	vm0 =	vmmov $0xffff;
	v1 =	vshrl.u32 v2, $0x3;
	s1 =	simm.s32 $0x1;
	s5 =	sadd.s32 $0x2200, s5;
	[dreg:$0x5] =	wrdreg s4  }
0x18: {  	v0 =	vand.u32 $0x7, v2;
	v2 =	vor.u32 $0x8, v2;
	v1 =	vmul.u32 $0x8, v1;
	s4 =	sadd.s32 $0x100, s2;
	[dreg:$0x4] =	wrdreg s5;
	s5 =	sadd.s32 $0x200, s2  }
.LBB2_1:
0x19: {  	s0 =	rddreg [dreg:$0x4]  }
0x1a: {  	[tilespmem:s3], [sflag:$0x2] =	stream.linear.gather [hbm4b:s0+s3], $0x40, $0x38;
	[tilespmem:$0x10080] =	vst v63  }
0x1b: {  	_ =	swait.ge [sflag:s8], $0x40  }
0x1c: {  	[sflag:s8] =	ssyncset.done $0x0  }
0x1d: {  	s10 =	rddreg [dreg:$0x5];
	[sflag:s8] =	ssyncadd.s32 $0xFFFFFFC0  }
0x1e: {  	[tilespmem:s9], [sflag:$0x2] =	stream.linear.gather [hbm4b:s10+s3], $0x10000, $0x38;
	[tilespmem:$0x10080] =	vst v63  }
0x1f: {  	_ =	swait.ge [sflag:s8], $0x10000  }
0x20: {  	[sflag:s8] =	ssyncset.done $0x0  }
0x21: {  	[sflag:s8] =	ssyncadd.s32 $0xFFFF0000  }
0x22: {  	v3 =	vld [tilespmem:$0x0];
	_ =	sdelay $0x4  }
0x23: {  	v4 =	vshll.u32 v3, $0x3  }
0x24: {  	v3 =	vand.u32 $0x7, v3;
	v4 =	vand.u32 $0xFFFFFFC0, v4  }
0x25: {  	v3 =	vor.u32 v3, v4  }
0x26: {  	v4 =	vperm.xlane v3, v0;
	_ =	sdelay $0x1  }
0x27: {  	v4 =	vadd.s32 v1, v4;
	_ =	sdelay $0x4  }
0x28: {  	[hbm4b:s2+s3] =	stream.indirect_vreg.scatter [tilespmem:s9], [sflag:$0x1], $0x80, v4, vm0, $0xb8;
	[tilespmem:$0x10080] =	vst v63  }
0x29: {  	s0 =	rddreg [dreg:$0x6];
	v3 =	vperm.xlane v3, v2  }
0x2a: {  	[hbm4b:s4+s3] =	stream.indirect_vreg.scatter [tilespmem:s0], [sflag:$0x1], $0x80, v4, vm0, $0xb8;
	[tilespmem:$0x10080] =	vst v63  }
0x2b: {  	s10 =	rddreg [dreg:$0x7];
	v3 =	vadd.s32 v1, v3  }
0x2c: {  	[hbm4b:s5+s3] =	stream.indirect_vreg.scatter [tilespmem:s10], [sflag:$0x1], $0x80, v4, vm0, $0xb8;
	[tilespmem:$0x10080] =	vst v63  }
0x2d: {  	s0 =	rddreg [dreg:$0x8]  }
0x2e: {  	[hbm4b:s6+s3] =	stream.indirect_vreg.scatter [tilespmem:s0], [sflag:$0x1], $0x80, v4, vm0, $0xb8;
	[tilespmem:$0x10080] =	vst v63  }
0x2f: {  	s10 =	rddreg [dreg:$0x9]  }
0x30: {  	[hbm4b:s2+s3] =	stream.indirect_vreg.scatter [tilespmem:s10], [sflag:$0x1], $0x80, v3, vm0, $0xb8;
	[tilespmem:$0x10080] =	vst v63  }
0x31: {  	s0 =	rddreg [dreg:$0xa]  }
0x32: {  	[hbm4b:s4+s3] =	stream.indirect_vreg.scatter [tilespmem:s0], [sflag:$0x1], $0x80, v3, vm0, $0xb8;
	[tilespmem:$0x10080] =	vst v63  }
0x33: {  	s10 =	rddreg [dreg:$0xb]  }
0x34: {  	[hbm4b:s5+s3] =	stream.indirect_vreg.scatter [tilespmem:s10], [sflag:$0x1], $0x80, v3, vm0, $0xb8;
	[tilespmem:$0x10080] =	vst v63  }
0x35: {  	s0 =	rddreg [dreg:$0xc]  }
0x36: {  	[hbm4b:s6+s3] =	stream.indirect_vreg.scatter [tilespmem:s0], [sflag:$0x1], $0x80, v3, vm0, $0xb8;
	[tilespmem:$0x10080] =	vst v63  }
0x37: {  	v3 =	vld [tilespmem:$0x10];
	_ =	sdelay $0x4  }
0x38: {  	v61 =	vshll.u32 v3, $0x3  }
0x39: {  	v3 =	vand.u32 $0x7, v3;
	v4 =	vand.u32 $0xFFFFFFC0, v61  }
0x3a: {  	v3 =	vor.u32 v3, v4  }
0x3b: {  	v4 =	vperm.xlane v3, v0;
	_ =	sdelay $0x1  }
0x3c: {  	v4 =	vadd.s32 v1, v4;
	_ =	sdelay $0x3  }
0x3d: {  	s0 =	rddreg [dreg:$0xd]  }
0x3e: {  	[hbm4b:s2+s3] =	stream.indirect_vreg.scatter [tilespmem:s0], [sflag:$0x1], $0x80, v4, vm0, $0xb8;
	[tilespmem:$0x10080] =	vst v63  }
0x3f: {  	s10 =	rddreg [dreg:$0xe];
	v3 =	vperm.xlane v3, v2  }
0x40: {  	[hbm4b:s4+s3] =	stream.indirect_vreg.scatter [tilespmem:s10], [sflag:$0x1], $0x80, v4, vm0, $0xb8;
	[tilespmem:$0x10080] =	vst v63  }
0x41: {  	v3 =	vadd.s32 v1, v3;
	s0 =	rddreg [dreg:$0xf]  }
0x42: {  	[hbm4b:s5+s3] =	stream.indirect_vreg.scatter [tilespmem:s0], [sflag:$0x1], $0x80, v4, vm0, $0xb8;
	[tilespmem:$0x10080] =	vst v63  }
0x43: {  	s10 =	simm.s32 $0x5880  }
0x44: {  	[hbm4b:s6+s3] =	stream.indirect_vreg.scatter [tilespmem:s10], [sflag:$0x1], $0x80, v4, vm0, $0xb8;
	[tilespmem:$0x10080] =	vst v63  }
0x45: {  	_ = 	snop  }
0x46: {  	[hbm4b:s2+s3] =	stream.indirect_vreg.scatter [tilespmem:s11], [sflag:$0x1], $0x80, v3, vm0, $0xb8;
	[tilespmem:$0x10080] =	vst v63  }
0x47: {  	_ = 	snop  }
0x48: {  	[hbm4b:s4+s3] =	stream.indirect_vreg.scatter [tilespmem:s12], [sflag:$0x1], $0x80, v3, vm0, $0xb8;
	[tilespmem:$0x10080] =	vst v63  }
0x49: {  	_ = 	snop  }
0x4a: {  	[hbm4b:s5+s3] =	stream.indirect_vreg.scatter [tilespmem:s13], [sflag:$0x1], $0x80, v3, vm0, $0xb8;
	[tilespmem:$0x10080] =	vst v63  }
0x4b: {  	_ = 	snop  }
0x4c: {  	[hbm4b:s6+s3] =	stream.indirect_vreg.scatter [tilespmem:s14], [sflag:$0x1], $0x80, v3, vm0, $0xb8;
	[tilespmem:$0x10080] =	vst v63  }
0x4d: {  	v3 =	vld [tilespmem:$0x20];
	_ =	sdelay $0x4  }
0x4e: {  	v62 =	vshll.u32 v3, $0x3  }
0x4f: {  	v3 =	vand.u32 $0x7, v3;
	v4 =	vand.u32 $0xFFFFFFC0, v62  }
0x50: {  	v3 =	vor.u32 v3, v4  }
0x51: {  	v4 =	vperm.xlane v3, v0;
	_ =	sdelay $0x1  }
0x52: {  	v4 =	vadd.s32 v1, v4;
	_ =	sdelay $0x4  }
0x53: {  	[hbm4b:s2+s3] =	stream.indirect_vreg.scatter [tilespmem:s15], [sflag:$0x1], $0x80, v4, vm0, $0xb8;
	[tilespmem:$0x10080] =	vst v63  }
0x54: {  	v3 =	vperm.xlane v3, v2  }
0x55: {  	[hbm4b:s4+s3] =	stream.indirect_vreg.scatter [tilespmem:s16], [sflag:$0x1], $0x80, v4, vm0, $0xb8;
	[tilespmem:$0x10080] =	vst v63  }
0x56: {  	v3 =	vadd.s32 v1, v3  }
0x57: {  	[hbm4b:s5+s3] =	stream.indirect_vreg.scatter [tilespmem:s17], [sflag:$0x1], $0x80, v4, vm0, $0xb8;
	[tilespmem:$0x10080] =	vst v63  }
0x58: {  	_ = 	snop  }
0x59: {  	[hbm4b:s6+s3] =	stream.indirect_vreg.scatter [tilespmem:s18], [sflag:$0x1], $0x80, v4, vm0, $0xb8;
	[tilespmem:$0x10080] =	vst v63  }
0x5a: {  	_ = 	snop  }
0x5b: {  	[hbm4b:s2+s3] =	stream.indirect_vreg.scatter [tilespmem:s19], [sflag:$0x1], $0x80, v3, vm0, $0xb8;
	[tilespmem:$0x10080] =	vst v63  }
0x5c: {  	_ = 	snop  }
0x5d: {  	[hbm4b:s4+s3] =	stream.indirect_vreg.scatter [tilespmem:s20], [sflag:$0x1], $0x80, v3, vm0, $0xb8;
	[tilespmem:$0x10080] =	vst v63  }
0x5e: {  	_ = 	snop  }
0x5f: {  	[hbm4b:s5+s3] =	stream.indirect_vreg.scatter [tilespmem:s21], [sflag:$0x1], $0x80, v3, vm0, $0xb8;
	[tilespmem:$0x10080] =	vst v63  }
0x60: {  	_ = 	snop  }
0x61: {  	[hbm4b:s6+s3] =	stream.indirect_vreg.scatter [tilespmem:s22], [sflag:$0x1], $0x80, v3, vm0, $0xb8;
	[tilespmem:$0x10080] =	vst v63  }
0x62: {  	v3 =	vld [tilespmem:$0x30];
	_ =	sdelay $0x4  }
0x63: {  	v63 =	vshll.u32 v3, $0x3  }
0x64: {  	v3 =	vand.u32 $0x7, v3;
	v4 =	vand.u32 $0xFFFFFFC0, v63  }
0x65: {  	v3 =	vor.u32 v3, v4  }
0x66: {  	v4 =	vperm.xlane v3, v0;
	_ =	sdelay $0x1  }
0x67: {  	v4 =	vadd.s32 v1, v4;
	_ =	sdelay $0x4  }
0x68: {  	[hbm4b:s2+s3] =	stream.indirect_vreg.scatter [tilespmem:s23], [sflag:$0x1], $0x80, v4, vm0, $0xb8;
	[tilespmem:$0x10080] =	vst v63  }
0x69: {  	v3 =	vperm.xlane v3, v2  }
0x6a: {  	[hbm4b:s4+s3] =	stream.indirect_vreg.scatter [tilespmem:s24], [sflag:$0x1], $0x80, v4, vm0, $0xb8;
	[tilespmem:$0x10080] =	vst v63  }
0x6b: {  	v3 =	vadd.s32 v1, v3  }
0x6c: {  	[hbm4b:s5+s3] =	stream.indirect_vreg.scatter [tilespmem:s25], [sflag:$0x1], $0x80, v4, vm0, $0xb8;
	[tilespmem:$0x10080] =	vst v63  }
0x6d: {  	_ = 	snop  }
0x6e: {  	[hbm4b:s6+s3] =	stream.indirect_vreg.scatter [tilespmem:s26], [sflag:$0x1], $0x80, v4, vm0, $0xb8;
	[tilespmem:$0x10080] =	vst v63  }
0x6f: {  	_ = 	snop  }
0x70: {  	[hbm4b:s2+s3] =	stream.indirect_vreg.scatter [tilespmem:s28], [sflag:$0x1], $0x80, v3, vm0, $0xb8;
	[tilespmem:$0x10080] =	vst v63  }
0x71: {  	_ = 	snop  }
0x72: {  	[hbm4b:s4+s3] =	stream.indirect_vreg.scatter [tilespmem:s29], [sflag:$0x1], $0x80, v3, vm0, $0xb8;
	[tilespmem:$0x10080] =	vst v63  }
0x73: {  	p0 =	sne.s32 s7, $0x1  }
0x74: {  	[hbm4b:s5+s3] =	stream.indirect_vreg.scatter [tilespmem:s30], [sflag:$0x1], $0x80, v3, vm0, $0xb8;
	[tilespmem:$0x10080] =	vst v63  }
.Ltmp0:
0x75: {  	_ = 	snop;
	(pc) =	sbr.rel @p0 .LBB2_1-.Ltmp0, $4  }
0x76: {  	[hbm4b:s6+s3] =	stream.indirect_vreg.scatter [tilespmem:s31], [sflag:$0x1], $0x80, v3, vm0, $0xb8;
	[tilespmem:$0x10080] =	vst v63  }
0x77: {  	_ =	swait.ge [sflag:s1], $0x10000  }
0x78: {  	[sflag:s1] =	ssyncset.done $0x0  }
0x79: {  	s7 =	sadd.s32 $0xFFFFFFFF, s7;
	[sflag:s1] =	ssyncadd.s32 $0xFFFF0000  }
0x7a: {  	_ =	sfence.sel $0x180000  }
0x7b: {  	[bflag:$0x0] =	sbarrier.arrive $0xFFFF  }
0x7c: {  	_ =	strace $0x90000047  }
0x7d: {  	s0 =	stileid.u32;
	[bflag:$0x2] =	sbarrier.arrive $0xFFFF  }
0x7e: {  	p0 =	sne.s32 s0, $0x0;
	s0 =	rddreg [dreg:$0x3]  }
0x7f: {  	s0 =	sadd.s32 @!p0 $0x100000, s0  }
0x80: {  	[sflag:s0] =	ssyncadd.tile.s32 @!p0 $0x1;
	_ =	shalt  }
.Lfunc_end2:
_tile_overlayer_lowered:
.L_overlay_start_2:
0x81: {  	(tag) =	ssettag $0x2  }
0x82: {  	s0 =	rddreg [dreg:$0x0];
	s2 =	stileid.u32  }
0x83: {  	s1 =	rddreg [dreg:$0x1];
	p0 =	sne.s32 s2, $0x0  }
0x84: {  	s3 =	rddreg [dreg:$0x2];
	[bflag:$0x3] =	sbarrier.arrive $0xFFFF;
	s2 =	simm.s32 @!p0 $0x1C02  }
0x85: {  	[timem:s3], [sflag:s2] =	dma.local @!p0 [hbm:s0], s1  }
0x86: {  	s0 =	simm.s32 @!p0 $0x2  }
0x87: {  	_ =	swait.ge @!p0 [sflag:s0], s1  }
0x88: {  	s1 =	ssub.s32 @!p0 $0x0, s1;
	[sflag:s0] =	ssyncset.done @!p0 $0x0  }
0x89: {  	[sflag:s0] =	ssyncadd.s32 @!p0 s1  }
0x8a: {  	[bflag:$0x3] =	sbarrier.arrive $0xFFFF  }
0x8b: {  	_ =	shalt  }

</sc_bundles>
